<compile_context>
chip_gen: v7x
topology: tpu7x:2x2x1
jax: 0.10.2.dev20260603
libtpu: 0.0.44.dev20260713+nightly
codegen_flags: <defaults>
</compile_context>

<pallas_src>
import functools

import jax
import jax.numpy as jnp
from jax import lax
from jax.experimental import pallas as pl
from jax.experimental.pallas import tpu as pltpu
from jax.experimental.pallas import tpu_sc as plsc

N = 10000
D = 128
E = 320000

NTILES = 32
NSUB = 16
CH = 128
CPT = 80
HALF = CPT // 2
E_PAD = NTILES * CPT * CH
N_ACC = N + 8

ROWS_PT = 624
TAIL_OFF = ROWS_PT * NSUB

BM = 1000
GRID = N // BM

_mesh = plsc.VectorSubcoreMesh(core_axis_name="c", subcore_axis_name="s")


def _acc_init(zeros_hbm, acc_sh, s):
    pltpu.sync_copy(
        zeros_hbm.at[pl.ds(s * ROWS_PT, ROWS_PT)],
        acc_sh.at[pl.ds(s * ROWS_PT, ROWS_PT)],
    )

    @pl.when(s == 0)
    def _():
        pltpu.sync_copy(
            zeros_hbm.at[pl.ds(TAIL_OFF, N_ACC - TAIL_OFF)],
            acc_sh.at[pl.ds(TAIL_OFF, N_ACC - TAIL_OFF)],
        )


def _acc_writeout(acc_sh, out_hbm, c, s):
    pltpu.sync_copy(
        acc_sh.at[pl.ds(s * ROWS_PT, ROWS_PT)],
        out_hbm.at[c, pl.ds(s * ROWS_PT, ROWS_PT)],
    )

    @pl.when(s == 0)
    def _():
        pltpu.sync_copy(
            acc_sh.at[pl.ds(TAIL_OFF, N - TAIL_OFF)],
            out_hbm.at[c, pl.ds(TAIL_OFF, N - TAIL_OFF)],
        )


EPT = E // NTILES
HCOL = 8
NVEC = EPT // 16


def _sc_degree(dst_flat, zeros_hist):

    @functools.partial(
        pl.kernel,
        out_type=jax.ShapeDtypeStruct((NTILES * HCOL * N,), jnp.float32),
        mesh=_mesh,
        scratch_types=[
            pltpu.VMEM((EPT,), jnp.int32),
            pltpu.VMEM((HCOL * N,), jnp.float32),
        ],
        compiler_params=pltpu.CompilerParams(needs_layout_passes=False),
    )
    def deg_kernel(dst_hbm, zeros_hbm, out_hbm, dst_t, hist):
        c = lax.axis_index("c")
        s = lax.axis_index("s")
        t = c * NSUB + s
        pltpu.sync_copy(zeros_hbm, hist)
        pltpu.sync_copy(dst_hbm.at[t], dst_t)

        lane = lax.iota(jnp.int32, 16)
        base = lax.bitwise_and(lane, 7) * N
        mlo = lane < 8
        mhi = lane >= 8
        ones = jnp.full((16,), 1.0, jnp.float32)

        @pl.loop(0, NVEC)
        def _(i):
            addr = base + dst_t[pl.ds(i * 16, 16)]
            plsc.addupdate_scatter(hist, [addr], ones, mask=mlo)
            plsc.addupdate_scatter(hist, [addr], ones, mask=mhi)

        pltpu.sync_copy(hist, out_hbm.at[pl.ds(t * HCOL * N, HCOL * N)])

    return deg_kernel(dst_flat, zeros_hist)


def _sc_gather_scatter(hp, src2, dst2, zeros_acc):

    @functools.partial(
        pl.kernel,
        out_type=jax.ShapeDtypeStruct((2, N, D), jnp.float32),
        mesh=_mesh,
        scratch_types=[
            pltpu.VMEM((HALF, CH), jnp.int32),
            pltpu.VMEM((HALF, CH), jnp.int32),
            pltpu.VMEM((CH, D), jnp.float32),
            pltpu.VMEM((CH, D), jnp.float32),
            pltpu.VMEM_SHARED((N_ACC, D), jnp.float32),
            pltpu.SemaphoreType.DMA,
            pltpu.SemaphoreType.DMA,
            pltpu.SemaphoreType.DMA,
            pltpu.SemaphoreType.DMA,
        ],
    )
    def gs_kernel(hp_hbm, src_hbm, dst_hbm, zeros_hbm, out_hbm,
                  src_t, dst_t, rows0, rows1, acc_sh, sg0, sg1, ss0, ss1):
        c = lax.axis_index("c")
        s = lax.axis_index("s")
        t = c * NSUB + s
        _acc_init(zeros_hbm, acc_sh, s)
        plsc.subcore_barrier()

        for h in range(CPT // HALF):
            pltpu.sync_copy(src_hbm.at[t, pl.ds(h * HALF, HALF)], src_t)
            pltpu.sync_copy(dst_hbm.at[t, pl.ds(h * HALF, HALF)], dst_t)

            @pl.loop(0, HALF // 2)
            def _(g):
                i0 = 2 * g
                i1 = 2 * g + 1

                @pl.when(g > 0)
                def _():
                    pltpu.make_async_copy(rows0, acc_sh.at[dst_t.at[i0]], ss0).wait()
                    pltpu.make_async_copy(rows1, acc_sh.at[dst_t.at[i1]], ss1).wait()

                g0 = pltpu.async_copy(hp_hbm.at[src_t.at[i0]], rows0, sg0)
                g1 = pltpu.async_copy(hp_hbm.at[src_t.at[i1]], rows1, sg1)
                g0.wait()
                pltpu.async_copy(rows0, acc_sh.at[dst_t.at[i0]], ss0, add=True)
                g1.wait()
                pltpu.async_copy(rows1, acc_sh.at[dst_t.at[i1]], ss1, add=True)

            pltpu.make_async_copy(rows0, acc_sh.at[dst_t.at[0]], ss0).wait()
            pltpu.make_async_copy(rows1, acc_sh.at[dst_t.at[0]], ss1).wait()

        plsc.subcore_barrier()
        _acc_writeout(acc_sh, out_hbm, c, s)

    return gs_kernel(hp, src2, dst2, zeros_acc)


_DN = (((1,), (0,)), ((), ()))


def _matmul(a_ref, w_ref):
    return lax.dot_general(a_ref, w_ref, _DN,
                           preferred_element_type=jnp.float32,
                           precision=lax.Precision.HIGHEST)


def _tc_fold(degp):

    def body(deg_ref, out_ref):
        out_ref[...] = lax.rsqrt(
            jnp.sum(deg_ref[...], axis=0, keepdims=True) + 1.0
        )

    return pl.pallas_call(
        body,
        in_specs=[pl.BlockSpec((NTILES * HCOL, N), lambda: (0, 0))],
        out_specs=pl.BlockSpec((1, N), lambda: (0, 0)),
        out_shape=jax.ShapeDtypeStruct((1, N), jnp.float32),
    )(degp)


def _tc_scale1(xw1, dinvc):

    def body(xw_ref, dinv_ref, hp_ref):
        hp_ref[...] = xw_ref[...] * jnp.broadcast_to(dinv_ref[...], (BM, D))

    return pl.pallas_call(
        body,
        grid=(GRID,),
        in_specs=[
            pl.BlockSpec((BM, D), lambda i: (i, 0)),
            pl.BlockSpec((BM, 1), lambda i: (i, 0)),
        ],
        out_specs=pl.BlockSpec((BM, D), lambda i: (i, 0)),
        out_shape=jax.ShapeDtypeStruct((N, D), jnp.float32),
    )(xw1, dinvc)


def _tc_mm1(x, W1):

    def body(x_ref, w_ref, out_ref):
        out_ref[...] = _matmul(x_ref[...], w_ref[...])

    return pl.pallas_call(
        body,
        grid=(GRID,),
        in_specs=[
            pl.BlockSpec((BM, D), lambda i: (i, 0)),
            pl.BlockSpec((D, D), lambda i: (0, 0)),
        ],
        out_specs=pl.BlockSpec((BM, D), lambda i: (i, 0)),
        out_shape=jax.ShapeDtypeStruct((N, D), jnp.float32),
    )(x, W1)


def _tc_mid(agg, hp, dinvc, b1, W2):

    def body(agg_ref, hp_ref, dinv_ref, b_ref, w_ref, out_ref):
        dinv = jnp.broadcast_to(dinv_ref[...], (BM, D))
        total = agg_ref[0] + agg_ref[1] + hp_ref[...]
        out1 = jnp.maximum(dinv * total + b_ref[...], 0.0)
        out_ref[...] = dinv * _matmul(out1, w_ref[...])

    return pl.pallas_call(
        body,
        grid=(GRID,),
        in_specs=[
            pl.BlockSpec((2, BM, D), lambda i: (0, i, 0)),
            pl.BlockSpec((BM, D), lambda i: (i, 0)),
            pl.BlockSpec((BM, 1), lambda i: (i, 0)),
            pl.BlockSpec((1, D), lambda i: (0, 0)),
            pl.BlockSpec((D, D), lambda i: (0, 0)),
        ],
        out_specs=pl.BlockSpec((BM, D), lambda i: (i, 0)),
        out_shape=jax.ShapeDtypeStruct((N, D), jnp.float32),
    )(agg, hp, dinvc, b1, W2)


def _tc_last(agg, hp, dinvc, b2, W_out, b_out):

    def body(agg_ref, hp_ref, dinv_ref, b2_ref, w_ref, bo_ref, out_ref):
        dinv = jnp.broadcast_to(dinv_ref[...], (BM, D))
        total = agg_ref[0] + agg_ref[1] + hp_ref[...]
        out2 = dinv * total + b2_ref[...]
        out_ref[...] = _matmul(out2, w_ref[...]) + bo_ref[...]

    return pl.pallas_call(
        body,
        grid=(GRID,),
        in_specs=[
            pl.BlockSpec((2, BM, D), lambda i: (0, i, 0)),
            pl.BlockSpec((BM, D), lambda i: (i, 0)),
            pl.BlockSpec((BM, 1), lambda i: (i, 0)),
            pl.BlockSpec((1, D), lambda i: (0, 0)),
            pl.BlockSpec((D, D), lambda i: (0, 0)),
            pl.BlockSpec((1, D), lambda i: (0, 0)),
        ],
        out_specs=pl.BlockSpec((BM, D), lambda i: (i, 0)),
        out_shape=jax.ShapeDtypeStruct((N, D), jnp.float32),
    )(agg, hp, dinvc, b2, W_out, b_out)


def kernel(x, edge_index, W1, b1, W2, b2, W_out, b_out):
    ppt = CPT * CH - E // NTILES
    pad_src = jnp.broadcast_to(jnp.arange(ppt, dtype=jnp.int32), (NTILES, ppt))
    pad_dst = jnp.full((NTILES, ppt), N, jnp.int32)
    src2 = jnp.concatenate(
        [edge_index[0].reshape(NTILES, E // NTILES), pad_src], axis=1
    ).reshape(NTILES, CPT, CH)
    dst2 = jnp.concatenate(
        [edge_index[1].reshape(NTILES, E // NTILES), pad_dst], axis=1
    ).reshape(NTILES, CPT, CH)
    zeros_acc = jnp.zeros((N_ACC, D), jnp.float32)
    zeros_hist = jnp.zeros((HCOL * N,), jnp.float32)
    dst_flat = edge_index[1].reshape(NTILES, EPT)

    degp = _sc_degree(dst_flat, zeros_hist).reshape(NTILES * HCOL, N)
    xw1 = _tc_mm1(x, W1)
    dinvc = _tc_fold(degp).reshape(N, 1)
    hp1 = _tc_scale1(xw1, dinvc)
    agg1 = _sc_gather_scatter(hp1, src2, dst2, zeros_acc)
    hp2 = _tc_mid(agg1, hp1, dinvc, b1.reshape(1, D), W2)
    agg2 = _sc_gather_scatter(hp2, src2, dst2, zeros_acc)
    return _tc_last(agg2, hp2, dinvc, b2.reshape(1, D), W_out, b_out.reshape(1, D))

# --- scband reference (transcript-rebuilt; emitter-appended) ---
"""Pipeline reference for scband-gcn-87144886436012 (READ-ONLY COPY).

The authoritative reference and input builder live on the scoring server;
editing this copy changes nothing except your own understanding.
"""

import jax, jax.numpy as jnp
import numpy as np

N = 10000
E = 320000
D_IN = 128
D_HID = 128
D_OUT = 128


def setup_inputs(seed: int = 0) -> dict:
    key = jax.random.key(seed)
    ks = jax.random.split(key, 8)
    x = jax.random.normal(ks[0], (N, D_IN), dtype=jnp.float32)
    edge_index = jax.random.randint(ks[1], (2, E), 0, N, dtype=jnp.int32)
    W1 = jax.random.normal(ks[2], (D_IN, D_HID), dtype=jnp.float32) / jnp.sqrt(D_IN)
    b1 = jnp.zeros((D_HID,), dtype=jnp.float32)
    W2 = jax.random.normal(ks[3], (D_HID, D_HID), dtype=jnp.float32) / jnp.sqrt(D_HID)
    b2 = jnp.zeros((D_HID,), dtype=jnp.float32)
    W_out = jax.random.normal(ks[4], (D_HID, D_OUT), dtype=jnp.float32) / jnp.sqrt(D_HID)
    b_out = jnp.zeros((D_OUT,), dtype=jnp.float32)
    return {"x": x, "edge_index": edge_index, "W1": W1, "b1": b1, "W2": W2, "b2": b2, "W_out": W_out, "b_out": b_out}


def _gcn_conv(x, edge_index, W, b):
    # PyG GCNConv: add self-loops, symmetric normalization D^-1/2 A_hat D^-1/2, then linear
    n = x.shape[0]
    loop = jnp.arange(n, dtype=edge_index.dtype)
    src = jnp.concatenate([edge_index[0], loop])
    dst = jnp.concatenate([edge_index[1], loop])
    deg = jax.ops.segment_sum(jnp.ones_like(dst, dtype=x.dtype), dst, num_segments=n)
    dinv = jnp.where(deg > 0, 1.0 / jnp.sqrt(deg), 0.0)
    norm = dinv[src] * dinv[dst]
    h = x @ W
    msg = h[src] * norm[:, None]
    out = jnp.zeros((n, h.shape[1]), dtype=x.dtype).at[dst].add(msg)
    return out + b


def reference(x, edge_index, W1, b1, W2, b2, W_out, b_out):
    h = _gcn_conv(x, edge_index, W1, b1)
    h = jax.nn.relu(h)
    # F.dropout(p=0.6, training=self.training) is identity in eval mode
    h = _gcn_conv(h, edge_index, W2, b2)
    out = h @ W_out + b_out
    return out

if __name__ == "__main__":
    import jax
    _d = setup_inputs()
    print(jax.jit(kernel)(*tuple(_d.values())))

</pallas_src>

<mosaic_0001>
#map = affine_map<(d0, d1) -> (0, 0)>
#map1 = affine_map<(d0, d1) -> (0, 0, 0)>
module attributes {stable_mosaic.version = 14 : i64} {
  func.func @gs_kernel(%arg0: i32, %arg1: i32, %arg2: memref<10000x128xf32, #tpu.memory_space<hbm>>, %arg3: memref<32x80x128xi32, #tpu.memory_space<hbm>>, %arg4: memref<32x80x128xi32, #tpu.memory_space<hbm>>, %arg5: memref<10008x128xf32, #tpu.memory_space<hbm>>, %arg6: memref<2x10000x128xf32, #tpu.memory_space<hbm>>, %arg7: memref<40x128xi32, #tpu.memory_space<vmem>>, %arg8: memref<40x128xi32, #tpu.memory_space<vmem>>, %arg9: memref<128x128xf32, #tpu.memory_space<vmem>>, %arg10: memref<128x128xf32, #tpu.memory_space<vmem>>, %arg11: memref<10008x128xf32, #tpu.memory_space<vmem_shared>>, %arg12: memref<!tpu.dma_semaphore, #tpu.memory_space<semaphore_mem>>, %arg13: memref<!tpu.dma_semaphore, #tpu.memory_space<semaphore_mem>>, %arg14: memref<!tpu.dma_semaphore, #tpu.memory_space<semaphore_mem>>, %arg15: memref<!tpu.dma_semaphore, #tpu.memory_space<semaphore_mem>>) attributes {dimension_semantics = [#tpu.dimension_semantics<core_parallel>, #tpu.dimension_semantics<subcore_parallel>], iteration_bounds = array<i64: 2, 16>, scalar_prefetch = 0 : i64, scratch_operands = 9 : i64, tpu.core_type = #tpu.core_type<sc_vector_subcore>, window_params = [{transform_indices = #map}, {transform_indices = #map1}, {transform_indices = #map1}, {transform_indices = #map}, {transform_indices = #map1}]} {
    %mul3A = arith.constant 16 : i32
    %mul3A_0 = arith.muli %arg0, %mul3A : i32
    %add3A = arith.addi %mul3A_0, %arg1 : i32
    %mul3A_1 = arith.constant 624 : i32
    %mul3A_2 = arith.muli %arg1, %mul3A_1 : i32
    %mul3A_3 = arith.constant 624 : i32
    %mul3A_4 = arith.muli %arg1, %mul3A_3 : i32
    "tpu.region"() ({
      %run_scoped3A = tpu.sem_alloc : memref<!tpu.dma_semaphore, #tpu.memory_space<semaphore_mem>>
      %dma_start3A = arith.constant 0 : i32
      %dma_start3A_53 = tpu.memref_slice %arg11[%mul3A_4, %dma_start3A] : memref<10008x128xf32, #tpu.memory_space<vmem_shared>> -> memref<624x128xf32, #tpu.memory_space<vmem_shared>>
      %dma_start3A_54 = arith.constant 0 : i32
      %dma_start3A_55 = tpu.memref_slice %arg5[%mul3A_2, %dma_start3A_54] : memref<10008x128xf32, #tpu.memory_space<hbm>> -> memref<624x128xf32, #tpu.memory_space<hbm>>
      tpu.enqueue_dma source(%dma_start3A_55 : memref<624x128xf32, #tpu.memory_space<hbm>>) target(%dma_start3A_53 : memref<624x128xf32, #tpu.memory_space<vmem_shared>>) target_semaphore(%run_scoped3A : memref<!tpu.dma_semaphore, #tpu.memory_space<semaphore_mem>>)
      %dma_wait3A_56 = arith.constant 0 : i32
      %dma_wait3A_57 = tpu.memref_slice %arg11[%mul3A_4, %dma_wait3A_56] : memref<10008x128xf32, #tpu.memory_space<vmem_shared>> -> memref<624x128xf32, #tpu.memory_space<vmem_shared>>
      %dma_wait3A_58 = arith.constant 0 : i32
      %dma_wait3A_59 = tpu.memref_slice %arg5[%mul3A_2, %dma_wait3A_58] : memref<10008x128xf32, #tpu.memory_space<hbm>> -> memref<624x128xf32, #tpu.memory_space<hbm>>
      tpu.wait_dma2 semaphore(%run_scoped3A : memref<!tpu.dma_semaphore, #tpu.memory_space<semaphore_mem>>) src(%dma_wait3A_59 : memref<624x128xf32, #tpu.memory_space<hbm>>) dst(%dma_wait3A_57 : memref<624x128xf32, #tpu.memory_space<vmem_shared>>)
      tpu.yield
    }) : () -> ()
    %eq3A = arith.constant 0 : i32
    %eq3A_5 = arith.cmpi eq, %arg1, %eq3A : i32
    %convert_element_type3A = arith.extui %eq3A_5 : i1 to i32
    %cond3A = arith.constant 0 : i32
    %cond3A_6 = arith.cmpi ne, %convert_element_type3A, %cond3A : i32
    scf.if %cond3A_6 {
      "tpu.region"() ({
        %run_scoped3A = tpu.sem_alloc : memref<!tpu.dma_semaphore, #tpu.memory_space<semaphore_mem>>
        %dma_start3A = arith.constant 9984 : i32
        %dma_start3A_53 = arith.constant 0 : i32
        %dma_start3A_54 = tpu.memref_slice %arg11[%dma_start3A, %dma_start3A_53] : memref<10008x128xf32, #tpu.memory_space<vmem_shared>> -> memref<24x128xf32, #tpu.memory_space<vmem_shared>>
        %dma_start3A_55 = arith.constant 9984 : i32
        %dma_start3A_56 = arith.constant 0 : i32
        %dma_start3A_57 = tpu.memref_slice %arg5[%dma_start3A_55, %dma_start3A_56] : memref<10008x128xf32, #tpu.memory_space<hbm>> -> memref<24x128xf32, #tpu.memory_space<hbm>>
        tpu.enqueue_dma source(%dma_start3A_57 : memref<24x128xf32, #tpu.memory_space<hbm>>) target(%dma_start3A_54 : memref<24x128xf32, #tpu.memory_space<vmem_shared>>) target_semaphore(%run_scoped3A : memref<!tpu.dma_semaphore, #tpu.memory_space<semaphore_mem>>)
        %dma_wait3A_58 = arith.constant 9984 : i32
        %dma_wait3A_59 = arith.constant 0 : i32
        %dma_wait3A_60 = tpu.memref_slice %arg11[%dma_wait3A_58, %dma_wait3A_59] : memref<10008x128xf32, #tpu.memory_space<vmem_shared>> -> memref<24x128xf32, #tpu.memory_space<vmem_shared>>
        %dma_wait3A_61 = arith.constant 9984 : i32
        %dma_wait3A_62 = arith.constant 0 : i32
        %dma_wait3A_63 = tpu.memref_slice %arg5[%dma_wait3A_61, %dma_wait3A_62] : memref<10008x128xf32, #tpu.memory_space<hbm>> -> memref<24x128xf32, #tpu.memory_space<hbm>>
        tpu.wait_dma2 semaphore(%run_scoped3A : memref<!tpu.dma_semaphore, #tpu.memory_space<semaphore_mem>>) src(%dma_wait3A_63 : memref<24x128xf32, #tpu.memory_space<hbm>>) dst(%dma_wait3A_60 : memref<24x128xf32, #tpu.memory_space<vmem_shared>>)
        tpu.yield
      }) : () -> ()
    } else {
    }
    %barrier3A = arith.constant 0 : index
    tpu.barrier barrier_id(%barrier3A)
    "tpu.region"() ({
      %run_scoped3A = tpu.sem_alloc : memref<!tpu.dma_semaphore, #tpu.memory_space<semaphore_mem>>
      %dma_start3A = arith.constant 0 : i32
      %dma_start3A_53 = arith.constant 0 : i32
      %dma_start3A_54 = tpu.memref_slice %arg3[%add3A, %dma_start3A, %dma_start3A_53] : memref<32x80x128xi32, #tpu.memory_space<hbm>> -> memref<1x40x128xi32, #tpu.memory_space<hbm>>
      %dma_start3A_55 = tpu.memref_squeeze %dma_start3A_54 : memref<1x40x128xi32, #tpu.memory_space<hbm>> -> memref<40x128xi32, #tpu.memory_space<hbm>>
      %dma_start3A_56 = arith.constant 0 : i32
      %dma_start3A_57 = arith.constant 0 : i32
      %dma_start3A_58 = tpu.memref_slice %arg3[%add3A, %dma_start3A_56, %dma_start3A_57] : memref<32x80x128xi32, #tpu.memory_space<hbm>> -> memref<1x40x128xi32, #tpu.memory_space<hbm>>
      %dma_start3A_59 = tpu.memref_squeeze %dma_start3A_58 : memref<1x40x128xi32, #tpu.memory_space<hbm>> -> memref<40x128xi32, #tpu.memory_space<hbm>>
      tpu.enqueue_dma source(%dma_start3A_59 : memref<40x128xi32, #tpu.memory_space<hbm>>) target(%arg7 : memref<40x128xi32, #tpu.memory_space<vmem>>) target_semaphore(%run_scoped3A : memref<!tpu.dma_semaphore, #tpu.memory_space<semaphore_mem>>)
      %dma_wait3A_60 = arith.constant 0 : i32
      %dma_wait3A_61 = arith.constant 0 : i32
      %dma_wait3A_62 = tpu.memref_slice %arg3[%add3A, %dma_wait3A_60, %dma_wait3A_61] : memref<32x80x128xi32, #tpu.memory_space<hbm>> -> memref<1x40x128xi32, #tpu.memory_space<hbm>>
      %dma_wait3A_63 = tpu.memref_squeeze %dma_wait3A_62 : memref<1x40x128xi32, #tpu.memory_space<hbm>> -> memref<40x128xi32, #tpu.memory_space<hbm>>
      %dma_wait3A_64 = arith.constant 0 : i32
      %dma_wait3A_65 = arith.constant 0 : i32
      %dma_wait3A_66 = tpu.memref_slice %arg3[%add3A, %dma_wait3A_64, %dma_wait3A_65] : memref<32x80x128xi32, #tpu.memory_space<hbm>> -> memref<1x40x128xi32, #tpu.memory_space<hbm>>
      %dma_wait3A_67 = tpu.memref_squeeze %dma_wait3A_66 : memref<1x40x128xi32, #tpu.memory_space<hbm>> -> memref<40x128xi32, #tpu.memory_space<hbm>>
      tpu.wait_dma2 semaphore(%run_scoped3A : memref<!tpu.dma_semaphore, #tpu.memory_space<semaphore_mem>>) src(%dma_wait3A_67 : memref<40x128xi32, #tpu.memory_space<hbm>>) dst(%arg7 : memref<40x128xi32, #tpu.memory_space<vmem>>)
      tpu.yield
    }) : () -> ()
    "tpu.region"() ({
      %run_scoped3A = tpu.sem_alloc : memref<!tpu.dma_semaphore, #tpu.memory_space<semaphore_mem>>
      %dma_start3A = arith.constant 0 : i32
      %dma_start3A_53 = arith.constant 0 : i32
      %dma_start3A_54 = tpu.memref_slice %arg4[%add3A, %dma_start3A, %dma_start3A_53] : memref<32x80x128xi32, #tpu.memory_space<hbm>> -> memref<1x40x128xi32, #tpu.memory_space<hbm>>
      %dma_start3A_55 = tpu.memref_squeeze %dma_start3A_54 : memref<1x40x128xi32, #tpu.memory_space<hbm>> -> memref<40x128xi32, #tpu.memory_space<hbm>>
      %dma_start3A_56 = arith.constant 0 : i32
      %dma_start3A_57 = arith.constant 0 : i32
      %dma_start3A_58 = tpu.memref_slice %arg4[%add3A, %dma_start3A_56, %dma_start3A_57] : memref<32x80x128xi32, #tpu.memory_space<hbm>> -> memref<1x40x128xi32, #tpu.memory_space<hbm>>
      %dma_start3A_59 = tpu.memref_squeeze %dma_start3A_58 : memref<1x40x128xi32, #tpu.memory_space<hbm>> -> memref<40x128xi32, #tpu.memory_space<hbm>>
      tpu.enqueue_dma source(%dma_start3A_59 : memref<40x128xi32, #tpu.memory_space<hbm>>) target(%arg8 : memref<40x128xi32, #tpu.memory_space<vmem>>) target_semaphore(%run_scoped3A : memref<!tpu.dma_semaphore, #tpu.memory_space<semaphore_mem>>)
      %dma_wait3A_60 = arith.constant 0 : i32
      %dma_wait3A_61 = arith.constant 0 : i32
      %dma_wait3A_62 = tpu.memref_slice %arg4[%add3A, %dma_wait3A_60, %dma_wait3A_61] : memref<32x80x128xi32, #tpu.memory_space<hbm>> -> memref<1x40x128xi32, #tpu.memory_space<hbm>>
      %dma_wait3A_63 = tpu.memref_squeeze %dma_wait3A_62 : memref<1x40x128xi32, #tpu.memory_space<hbm>> -> memref<40x128xi32, #tpu.memory_space<hbm>>
      %dma_wait3A_64 = arith.constant 0 : i32
      %dma_wait3A_65 = arith.constant 0 : i32
      %dma_wait3A_66 = tpu.memref_slice %arg4[%add3A, %dma_wait3A_64, %dma_wait3A_65] : memref<32x80x128xi32, #tpu.memory_space<hbm>> -> memref<1x40x128xi32, #tpu.memory_space<hbm>>
      %dma_wait3A_67 = tpu.memref_squeeze %dma_wait3A_66 : memref<1x40x128xi32, #tpu.memory_space<hbm>> -> memref<40x128xi32, #tpu.memory_space<hbm>>
      tpu.wait_dma2 semaphore(%run_scoped3A : memref<!tpu.dma_semaphore, #tpu.memory_space<semaphore_mem>>) src(%dma_wait3A_67 : memref<40x128xi32, #tpu.memory_space<hbm>>) dst(%arg8 : memref<40x128xi32, #tpu.memory_space<vmem>>)
      tpu.yield
    }) : () -> ()
    %scan3A = arith.constant 0 : i32
    %scan3A_7 = arith.constant 20 : i32
    %scan3A_8 = arith.addi %scan3A, %scan3A_7 : i32
    %scan3A_9 = arith.constant 1 : i32
    scf.for %scan3A_53 = %scan3A to %scan3A_8 step %scan3A_9  : i32 {
      %mul3A_54 = arith.constant 1 : i32
      %mul3A_55 = arith.muli %scan3A_53, %mul3A_54 : i32
      %add3A_56 = arith.constant 0 : i32
      %add3A_57 = arith.addi %add3A_56, %mul3A_55 : i32
      %mul3A_58 = arith.constant 2 : i32
      %mul3A_59 = arith.muli %mul3A_58, %add3A_57 : i32
      %mul3A_60 = arith.constant 2 : i32
      %mul3A_61 = arith.muli %mul3A_60, %add3A_57 : i32
      %add3A_62 = arith.constant 1 : i32
      %add3A_63 = arith.addi %mul3A_61, %add3A_62 : i32
      %gt3A = arith.constant 0 : i32
      %gt3A_64 = arith.cmpi sgt, %add3A_57, %gt3A : i32
      %convert_element_type3A_65 = arith.extui %gt3A_64 : i1 to i32
      %cond3A_66 = arith.constant 0 : i32
      %cond3A_67 = arith.cmpi ne, %convert_element_type3A_65, %cond3A_66 : i32
      scf.if %cond3A_67 {
        %dma_wait3A_103 = arith.constant 0 : i32
        %dma_wait3A_104 = tpu.memref_slice %arg8[%mul3A_59, %dma_wait3A_103] : memref<40x128xi32, #tpu.memory_space<vmem>> -> memref<1x128xi32, #tpu.memory_space<vmem>>
        %dma_wait3A_105 = tpu.memref_squeeze %dma_wait3A_104 : memref<1x128xi32, #tpu.memory_space<vmem>> -> memref<128xi32, #tpu.memory_space<vmem>>
        %dma_wait3A_106 = arith.constant 0 : i32
        %dma_wait3A_107 = arith.constant 0 : i32
        %dma_wait3A_108 = tpu.memref_slice %arg11[%dma_wait3A_106, %dma_wait3A_107] : memref<10008x128xf32, #tpu.memory_space<vmem_shared>> -> memref<10008x128xf32, #tpu.memory_space<vmem_shared>>
        tpu.wait_indirect_dma semaphore(%arg14 : memref<!tpu.dma_semaphore, #tpu.memory_space<semaphore_mem>>) src(%arg9 : memref<128x128xf32, #tpu.memory_space<vmem>>) dst(%dma_wait3A_108 : memref<10008x128xf32, #tpu.memory_space<vmem_shared>>)
        %dma_wait3A_109 = arith.constant 0 : i32
        %dma_wait3A_110 = tpu.memref_slice %arg8[%add3A_63, %dma_wait3A_109] : memref<40x128xi32, #tpu.memory_space<vmem>> -> memref<1x128xi32, #tpu.memory_space<vmem>>
        %dma_wait3A_111 = tpu.memref_squeeze %dma_wait3A_110 : memref<1x128xi32, #tpu.memory_space<vmem>> -> memref<128xi32, #tpu.memory_space<vmem>>
        %dma_wait3A_112 = arith.constant 0 : i32
        %dma_wait3A_113 = arith.constant 0 : i32
        %dma_wait3A_114 = tpu.memref_slice %arg11[%dma_wait3A_112, %dma_wait3A_113] : memref<10008x128xf32, #tpu.memory_space<vmem_shared>> -> memref<10008x128xf32, #tpu.memory_space<vmem_shared>>
        tpu.wait_indirect_dma semaphore(%arg15 : memref<!tpu.dma_semaphore, #tpu.memory_space<semaphore_mem>>) src(%arg10 : memref<128x128xf32, #tpu.memory_space<vmem>>) dst(%dma_wait3A_114 : memref<10008x128xf32, #tpu.memory_space<vmem_shared>>)
      } else {
      }
      %dma_start3A = arith.constant 0 : i32
      %dma_start3A_68 = tpu.memref_slice %arg7[%mul3A_59, %dma_start3A] : memref<40x128xi32, #tpu.memory_space<vmem>> -> memref<1x128xi32, #tpu.memory_space<vmem>>
      %dma_start3A_69 = tpu.memref_squeeze %dma_start3A_68 : memref<1x128xi32, #tpu.memory_space<vmem>> -> memref<128xi32, #tpu.memory_space<vmem>>
      %dma_start3A_70 = arith.constant 0 : i32
      %dma_start3A_71 = arith.constant 0 : i32
      %dma_start3A_72 = tpu.memref_slice %arg2[%dma_start3A_70, %dma_start3A_71] : memref<10000x128xf32, #tpu.memory_space<hbm>> -> memref<10000x128xf32, #tpu.memory_space<hbm>>
      tpu.enqueue_indirect_dma source(%dma_start3A_72 : memref<10000x128xf32, #tpu.memory_space<hbm>>) target(%arg9 : memref<128x128xf32, #tpu.memory_space<vmem>>) offsets(%dma_start3A_69 : memref<128xi32, #tpu.memory_space<vmem>>) semaphore(%arg12 : memref<!tpu.dma_semaphore, #tpu.memory_space<semaphore_mem>>)
      %dma_start3A_73 = arith.constant 0 : i32
      %dma_start3A_74 = tpu.memref_slice %arg7[%add3A_63, %dma_start3A_73] : memref<40x128xi32, #tpu.memory_space<vmem>> -> memref<1x128xi32, #tpu.memory_space<vmem>>
      %dma_start3A_75 = tpu.memref_squeeze %dma_start3A_74 : memref<1x128xi32, #tpu.memory_space<vmem>> -> memref<128xi32, #tpu.memory_space<vmem>>
      %dma_start3A_76 = arith.constant 0 : i32
      %dma_start3A_77 = arith.constant 0 : i32
      %dma_start3A_78 = tpu.memref_slice %arg2[%dma_start3A_76, %dma_start3A_77] : memref<10000x128xf32, #tpu.memory_space<hbm>> -> memref<10000x128xf32, #tpu.memory_space<hbm>>
      tpu.enqueue_indirect_dma source(%dma_start3A_78 : memref<10000x128xf32, #tpu.memory_space<hbm>>) target(%arg10 : memref<128x128xf32, #tpu.memory_space<vmem>>) offsets(%dma_start3A_75 : memref<128xi32, #tpu.memory_space<vmem>>) semaphore(%arg13 : memref<!tpu.dma_semaphore, #tpu.memory_space<semaphore_mem>>)
      %dma_wait3A_79 = arith.constant 0 : i32
      %dma_wait3A_80 = tpu.memref_slice %arg7[%mul3A_59, %dma_wait3A_79] : memref<40x128xi32, #tpu.memory_space<vmem>> -> memref<1x128xi32, #tpu.memory_space<vmem>>
      %dma_wait3A_81 = tpu.memref_squeeze %dma_wait3A_80 : memref<1x128xi32, #tpu.memory_space<vmem>> -> memref<128xi32, #tpu.memory_space<vmem>>
      %dma_wait3A_82 = arith.constant 0 : i32
      %dma_wait3A_83 = arith.constant 0 : i32
      %dma_wait3A_84 = tpu.memref_slice %arg2[%dma_wait3A_82, %dma_wait3A_83] : memref<10000x128xf32, #tpu.memory_space<hbm>> -> memref<10000x128xf32, #tpu.memory_space<hbm>>
      tpu.wait_indirect_dma semaphore(%arg12 : memref<!tpu.dma_semaphore, #tpu.memory_space<semaphore_mem>>) src(%dma_wait3A_84 : memref<10000x128xf32, #tpu.memory_space<hbm>>) dst(%arg9 : memref<128x128xf32, #tpu.memory_space<vmem>>)
      %dma_start3A_85 = arith.constant 0 : i32
      %dma_start3A_86 = tpu.memref_slice %arg8[%mul3A_59, %dma_start3A_85] : memref<40x128xi32, #tpu.memory_space<vmem>> -> memref<1x128xi32, #tpu.memory_space<vmem>>
      %dma_start3A_87 = tpu.memref_squeeze %dma_start3A_86 : memref<1x128xi32, #tpu.memory_space<vmem>> -> memref<128xi32, #tpu.memory_space<vmem>>
      %dma_start3A_88 = arith.constant 0 : i32
      %dma_start3A_89 = arith.constant 0 : i32
      %dma_start3A_90 = tpu.memref_slice %arg11[%dma_start3A_88, %dma_start3A_89] : memref<10008x128xf32, #tpu.memory_space<vmem_shared>> -> memref<10008x128xf32, #tpu.memory_space<vmem_shared>>
      tpu.enqueue_indirect_dma source(%arg9 : memref<128x128xf32, #tpu.memory_space<vmem>>) target(%dma_start3A_90 : memref<10008x128xf32, #tpu.memory_space<vmem_shared>>) offsets(%dma_start3A_87 : memref<128xi32, #tpu.memory_space<vmem>>) semaphore(%arg14 : memref<!tpu.dma_semaphore, #tpu.memory_space<semaphore_mem>>) {add = true}
      %dma_wait3A_91 = arith.constant 0 : i32
      %dma_wait3A_92 = tpu.memref_slice %arg7[%add3A_63, %dma_wait3A_91] : memref<40x128xi32, #tpu.memory_space<vmem>> -> memref<1x128xi32, #tpu.memory_space<vmem>>
      %dma_wait3A_93 = tpu.memref_squeeze %dma_wait3A_92 : memref<1x128xi32, #tpu.memory_space<vmem>> -> memref<128xi32, #tpu.memory_space<vmem>>
      %dma_wait3A_94 = arith.constant 0 : i32
      %dma_wait3A_95 = arith.constant 0 : i32
      %dma_wait3A_96 = tpu.memref_slice %arg2[%dma_wait3A_94, %dma_wait3A_95] : memref<10000x128xf32, #tpu.memory_space<hbm>> -> memref<10000x128xf32, #tpu.memory_space<hbm>>
      tpu.wait_indirect_dma semaphore(%arg13 : memref<!tpu.dma_semaphore, #tpu.memory_space<semaphore_mem>>) src(%dma_wait3A_96 : memref<10000x128xf32, #tpu.memory_space<hbm>>) dst(%arg10 : memref<128x128xf32, #tpu.memory_space<vmem>>)
      %dma_start3A_97 = arith.constant 0 : i32
      %dma_start3A_98 = tpu.memref_slice %arg8[%add3A_63, %dma_start3A_97] : memref<40x128xi32, #tpu.memory_space<vmem>> -> memref<1x128xi32, #tpu.memory_space<vmem>>
      %dma_start3A_99 = tpu.memref_squeeze %dma_start3A_98 : memref<1x128xi32, #tpu.memory_space<vmem>> -> memref<128xi32, #tpu.memory_space<vmem>>
      %dma_start3A_100 = arith.constant 0 : i32
      %dma_start3A_101 = arith.constant 0 : i32
      %dma_start3A_102 = tpu.memref_slice %arg11[%dma_start3A_100, %dma_start3A_101] : memref<10008x128xf32, #tpu.memory_space<vmem_shared>> -> memref<10008x128xf32, #tpu.memory_space<vmem_shared>>
      tpu.enqueue_indirect_dma source(%arg10 : memref<128x128xf32, #tpu.memory_space<vmem>>) target(%dma_start3A_102 : memref<10008x128xf32, #tpu.memory_space<vmem_shared>>) offsets(%dma_start3A_99 : memref<128xi32, #tpu.memory_space<vmem>>) semaphore(%arg15 : memref<!tpu.dma_semaphore, #tpu.memory_space<semaphore_mem>>) {add = true}
    }
    %scan3A_10 = arith.constant 20 : i32
    %dma_wait3A = arith.constant 0 : i32
    %dma_wait3A_11 = arith.constant 0 : i32
    %dma_wait3A_12 = tpu.memref_slice %arg8[%dma_wait3A, %dma_wait3A_11] : memref<40x128xi32, #tpu.memory_space<vmem>> -> memref<1x128xi32, #tpu.memory_space<vmem>>
    %dma_wait3A_13 = tpu.memref_squeeze %dma_wait3A_12 : memref<1x128xi32, #tpu.memory_space<vmem>> -> memref<128xi32, #tpu.memory_space<vmem>>
    %dma_wait3A_14 = arith.constant 0 : i32
    %dma_wait3A_15 = arith.constant 0 : i32
    %dma_wait3A_16 = tpu.memref_slice %arg11[%dma_wait3A_14, %dma_wait3A_15] : memref<10008x128xf32, #tpu.memory_space<vmem_shared>> -> memref<10008x128xf32, #tpu.memory_space<vmem_shared>>
    tpu.wait_indirect_dma semaphore(%arg14 : memref<!tpu.dma_semaphore, #tpu.memory_space<semaphore_mem>>) src(%arg9 : memref<128x128xf32, #tpu.memory_space<vmem>>) dst(%dma_wait3A_16 : memref<10008x128xf32, #tpu.memory_space<vmem_shared>>)
    %dma_wait3A_17 = arith.constant 0 : i32
    %dma_wait3A_18 = arith.constant 0 : i32
    %dma_wait3A_19 = tpu.memref_slice %arg8[%dma_wait3A_17, %dma_wait3A_18] : memref<40x128xi32, #tpu.memory_space<vmem>> -> memref<1x128xi32, #tpu.memory_space<vmem>>
    %dma_wait3A_20 = tpu.memref_squeeze %dma_wait3A_19 : memref<1x128xi32, #tpu.memory_space<vmem>> -> memref<128xi32, #tpu.memory_space<vmem>>
    %dma_wait3A_21 = arith.constant 0 : i32
    %dma_wait3A_22 = arith.constant 0 : i32
    %dma_wait3A_23 = tpu.memref_slice %arg11[%dma_wait3A_21, %dma_wait3A_22] : memref<10008x128xf32, #tpu.memory_space<vmem_shared>> -> memref<10008x128xf32, #tpu.memory_space<vmem_shared>>
    tpu.wait_indirect_dma semaphore(%arg15 : memref<!tpu.dma_semaphore, #tpu.memory_space<semaphore_mem>>) src(%arg10 : memref<128x128xf32, #tpu.memory_space<vmem>>) dst(%dma_wait3A_23 : memref<10008x128xf32, #tpu.memory_space<vmem_shared>>)
    "tpu.region"() ({
      %run_scoped3A = tpu.sem_alloc : memref<!tpu.dma_semaphore, #tpu.memory_space<semaphore_mem>>
      %dma_start3A = arith.constant 40 : i32
      %dma_start3A_53 = arith.constant 0 : i32
      %dma_start3A_54 = tpu.memref_slice %arg3[%add3A, %dma_start3A, %dma_start3A_53] : memref<32x80x128xi32, #tpu.memory_space<hbm>> -> memref<1x40x128xi32, #tpu.memory_space<hbm>>
      %dma_start3A_55 = tpu.memref_squeeze %dma_start3A_54 : memref<1x40x128xi32, #tpu.memory_space<hbm>> -> memref<40x128xi32, #tpu.memory_space<hbm>>
      %dma_start3A_56 = arith.constant 40 : i32
      %dma_start3A_57 = arith.constant 0 : i32
      %dma_start3A_58 = tpu.memref_slice %arg3[%add3A, %dma_start3A_56, %dma_start3A_57] : memref<32x80x128xi32, #tpu.memory_space<hbm>> -> memref<1x40x128xi32, #tpu.memory_space<hbm>>
      %dma_start3A_59 = tpu.memref_squeeze %dma_start3A_58 : memref<1x40x128xi32, #tpu.memory_space<hbm>> -> memref<40x128xi32, #tpu.memory_space<hbm>>
      tpu.enqueue_dma source(%dma_start3A_59 : memref<40x128xi32, #tpu.memory_space<hbm>>) target(%arg7 : memref<40x128xi32, #tpu.memory_space<vmem>>) target_semaphore(%run_scoped3A : memref<!tpu.dma_semaphore, #tpu.memory_space<semaphore_mem>>)
      %dma_wait3A_60 = arith.constant 40 : i32
      %dma_wait3A_61 = arith.constant 0 : i32
      %dma_wait3A_62 = tpu.memref_slice %arg3[%add3A, %dma_wait3A_60, %dma_wait3A_61] : memref<32x80x128xi32, #tpu.memory_space<hbm>> -> memref<1x40x128xi32, #tpu.memory_space<hbm>>
      %dma_wait3A_63 = tpu.memref_squeeze %dma_wait3A_62 : memref<1x40x128xi32, #tpu.memory_space<hbm>> -> memref<40x128xi32, #tpu.memory_space<hbm>>
      %dma_wait3A_64 = arith.constant 40 : i32
      %dma_wait3A_65 = arith.constant 0 : i32
      %dma_wait3A_66 = tpu.memref_slice %arg3[%add3A, %dma_wait3A_64, %dma_wait3A_65] : memref<32x80x128xi32, #tpu.memory_space<hbm>> -> memref<1x40x128xi32, #tpu.memory_space<hbm>>
      %dma_wait3A_67 = tpu.memref_squeeze %dma_wait3A_66 : memref<1x40x128xi32, #tpu.memory_space<hbm>> -> memref<40x128xi32, #tpu.memory_space<hbm>>
      tpu.wait_dma2 semaphore(%run_scoped3A : memref<!tpu.dma_semaphore, #tpu.memory_space<semaphore_mem>>) src(%dma_wait3A_67 : memref<40x128xi32, #tpu.memory_space<hbm>>) dst(%arg7 : memref<40x128xi32, #tpu.memory_space<vmem>>)
      tpu.yield
    }) : () -> ()
    "tpu.region"() ({
      %run_scoped3A = tpu.sem_alloc : memref<!tpu.dma_semaphore, #tpu.memory_space<semaphore_mem>>
      %dma_start3A = arith.constant 40 : i32
      %dma_start3A_53 = arith.constant 0 : i32
      %dma_start3A_54 = tpu.memref_slice %arg4[%add3A, %dma_start3A, %dma_start3A_53] : memref<32x80x128xi32, #tpu.memory_space<hbm>> -> memref<1x40x128xi32, #tpu.memory_space<hbm>>
      %dma_start3A_55 = tpu.memref_squeeze %dma_start3A_54 : memref<1x40x128xi32, #tpu.memory_space<hbm>> -> memref<40x128xi32, #tpu.memory_space<hbm>>
      %dma_start3A_56 = arith.constant 40 : i32
      %dma_start3A_57 = arith.constant 0 : i32
      %dma_start3A_58 = tpu.memref_slice %arg4[%add3A, %dma_start3A_56, %dma_start3A_57] : memref<32x80x128xi32, #tpu.memory_space<hbm>> -> memref<1x40x128xi32, #tpu.memory_space<hbm>>
      %dma_start3A_59 = tpu.memref_squeeze %dma_start3A_58 : memref<1x40x128xi32, #tpu.memory_space<hbm>> -> memref<40x128xi32, #tpu.memory_space<hbm>>
      tpu.enqueue_dma source(%dma_start3A_59 : memref<40x128xi32, #tpu.memory_space<hbm>>) target(%arg8 : memref<40x128xi32, #tpu.memory_space<vmem>>) target_semaphore(%run_scoped3A : memref<!tpu.dma_semaphore, #tpu.memory_space<semaphore_mem>>)
      %dma_wait3A_60 = arith.constant 40 : i32
      %dma_wait3A_61 = arith.constant 0 : i32
      %dma_wait3A_62 = tpu.memref_slice %arg4[%add3A, %dma_wait3A_60, %dma_wait3A_61] : memref<32x80x128xi32, #tpu.memory_space<hbm>> -> memref<1x40x128xi32, #tpu.memory_space<hbm>>
      %dma_wait3A_63 = tpu.memref_squeeze %dma_wait3A_62 : memref<1x40x128xi32, #tpu.memory_space<hbm>> -> memref<40x128xi32, #tpu.memory_space<hbm>>
      %dma_wait3A_64 = arith.constant 40 : i32
      %dma_wait3A_65 = arith.constant 0 : i32
      %dma_wait3A_66 = tpu.memref_slice %arg4[%add3A, %dma_wait3A_64, %dma_wait3A_65] : memref<32x80x128xi32, #tpu.memory_space<hbm>> -> memref<1x40x128xi32, #tpu.memory_space<hbm>>
      %dma_wait3A_67 = tpu.memref_squeeze %dma_wait3A_66 : memref<1x40x128xi32, #tpu.memory_space<hbm>> -> memref<40x128xi32, #tpu.memory_space<hbm>>
      tpu.wait_dma2 semaphore(%run_scoped3A : memref<!tpu.dma_semaphore, #tpu.memory_space<semaphore_mem>>) src(%dma_wait3A_67 : memref<40x128xi32, #tpu.memory_space<hbm>>) dst(%arg8 : memref<40x128xi32, #tpu.memory_space<vmem>>)
      tpu.yield
    }) : () -> ()
    %scan3A_24 = arith.constant 0 : i32
    %scan3A_25 = arith.constant 20 : i32
    %scan3A_26 = arith.addi %scan3A_24, %scan3A_25 : i32
    %scan3A_27 = arith.constant 1 : i32
    scf.for %scan3A_53 = %scan3A_24 to %scan3A_26 step %scan3A_27  : i32 {
      %mul3A_54 = arith.constant 1 : i32
      %mul3A_55 = arith.muli %scan3A_53, %mul3A_54 : i32
      %add3A_56 = arith.constant 0 : i32
      %add3A_57 = arith.addi %add3A_56, %mul3A_55 : i32
      %mul3A_58 = arith.constant 2 : i32
      %mul3A_59 = arith.muli %mul3A_58, %add3A_57 : i32
      %mul3A_60 = arith.constant 2 : i32
      %mul3A_61 = arith.muli %mul3A_60, %add3A_57 : i32
      %add3A_62 = arith.constant 1 : i32
      %add3A_63 = arith.addi %mul3A_61, %add3A_62 : i32
      %gt3A = arith.constant 0 : i32
      %gt3A_64 = arith.cmpi sgt, %add3A_57, %gt3A : i32
      %convert_element_type3A_65 = arith.extui %gt3A_64 : i1 to i32
      %cond3A_66 = arith.constant 0 : i32
      %cond3A_67 = arith.cmpi ne, %convert_element_type3A_65, %cond3A_66 : i32
      scf.if %cond3A_67 {
        %dma_wait3A_103 = arith.constant 0 : i32
        %dma_wait3A_104 = tpu.memref_slice %arg8[%mul3A_59, %dma_wait3A_103] : memref<40x128xi32, #tpu.memory_space<vmem>> -> memref<1x128xi32, #tpu.memory_space<vmem>>
        %dma_wait3A_105 = tpu.memref_squeeze %dma_wait3A_104 : memref<1x128xi32, #tpu.memory_space<vmem>> -> memref<128xi32, #tpu.memory_space<vmem>>
        %dma_wait3A_106 = arith.constant 0 : i32
        %dma_wait3A_107 = arith.constant 0 : i32
        %dma_wait3A_108 = tpu.memref_slice %arg11[%dma_wait3A_106, %dma_wait3A_107] : memref<10008x128xf32, #tpu.memory_space<vmem_shared>> -> memref<10008x128xf32, #tpu.memory_space<vmem_shared>>
        tpu.wait_indirect_dma semaphore(%arg14 : memref<!tpu.dma_semaphore, #tpu.memory_space<semaphore_mem>>) src(%arg9 : memref<128x128xf32, #tpu.memory_space<vmem>>) dst(%dma_wait3A_108 : memref<10008x128xf32, #tpu.memory_space<vmem_shared>>)
        %dma_wait3A_109 = arith.constant 0 : i32
        %dma_wait3A_110 = tpu.memref_slice %arg8[%add3A_63, %dma_wait3A_109] : memref<40x128xi32, #tpu.memory_space<vmem>> -> memref<1x128xi32, #tpu.memory_space<vmem>>
        %dma_wait3A_111 = tpu.memref_squeeze %dma_wait3A_110 : memref<1x128xi32, #tpu.memory_space<vmem>> -> memref<128xi32, #tpu.memory_space<vmem>>
        %dma_wait3A_112 = arith.constant 0 : i32
        %dma_wait3A_113 = arith.constant 0 : i32
        %dma_wait3A_114 = tpu.memref_slice %arg11[%dma_wait3A_112, %dma_wait3A_113] : memref<10008x128xf32, #tpu.memory_space<vmem_shared>> -> memref<10008x128xf32, #tpu.memory_space<vmem_shared>>
        tpu.wait_indirect_dma semaphore(%arg15 : memref<!tpu.dma_semaphore, #tpu.memory_space<semaphore_mem>>) src(%arg10 : memref<128x128xf32, #tpu.memory_space<vmem>>) dst(%dma_wait3A_114 : memref<10008x128xf32, #tpu.memory_space<vmem_shared>>)
      } else {
      }
      %dma_start3A = arith.constant 0 : i32
      %dma_start3A_68 = tpu.memref_slice %arg7[%mul3A_59, %dma_start3A] : memref<40x128xi32, #tpu.memory_space<vmem>> -> memref<1x128xi32, #tpu.memory_space<vmem>>
      %dma_start3A_69 = tpu.memref_squeeze %dma_start3A_68 : memref<1x128xi32, #tpu.memory_space<vmem>> -> memref<128xi32, #tpu.memory_space<vmem>>
      %dma_start3A_70 = arith.constant 0 : i32
      %dma_start3A_71 = arith.constant 0 : i32
      %dma_start3A_72 = tpu.memref_slice %arg2[%dma_start3A_70, %dma_start3A_71] : memref<10000x128xf32, #tpu.memory_space<hbm>> -> memref<10000x128xf32, #tpu.memory_space<hbm>>
      tpu.enqueue_indirect_dma source(%dma_start3A_72 : memref<10000x128xf32, #tpu.memory_space<hbm>>) target(%arg9 : memref<128x128xf32, #tpu.memory_space<vmem>>) offsets(%dma_start3A_69 : memref<128xi32, #tpu.memory_space<vmem>>) semaphore(%arg12 : memref<!tpu.dma_semaphore, #tpu.memory_space<semaphore_mem>>)
      %dma_start3A_73 = arith.constant 0 : i32
      %dma_start3A_74 = tpu.memref_slice %arg7[%add3A_63, %dma_start3A_73] : memref<40x128xi32, #tpu.memory_space<vmem>> -> memref<1x128xi32, #tpu.memory_space<vmem>>
      %dma_start3A_75 = tpu.memref_squeeze %dma_start3A_74 : memref<1x128xi32, #tpu.memory_space<vmem>> -> memref<128xi32, #tpu.memory_space<vmem>>
      %dma_start3A_76 = arith.constant 0 : i32
      %dma_start3A_77 = arith.constant 0 : i32
      %dma_start3A_78 = tpu.memref_slice %arg2[%dma_start3A_76, %dma_start3A_77] : memref<10000x128xf32, #tpu.memory_space<hbm>> -> memref<10000x128xf32, #tpu.memory_space<hbm>>
      tpu.enqueue_indirect_dma source(%dma_start3A_78 : memref<10000x128xf32, #tpu.memory_space<hbm>>) target(%arg10 : memref<128x128xf32, #tpu.memory_space<vmem>>) offsets(%dma_start3A_75 : memref<128xi32, #tpu.memory_space<vmem>>) semaphore(%arg13 : memref<!tpu.dma_semaphore, #tpu.memory_space<semaphore_mem>>)
      %dma_wait3A_79 = arith.constant 0 : i32
      %dma_wait3A_80 = tpu.memref_slice %arg7[%mul3A_59, %dma_wait3A_79] : memref<40x128xi32, #tpu.memory_space<vmem>> -> memref<1x128xi32, #tpu.memory_space<vmem>>
      %dma_wait3A_81 = tpu.memref_squeeze %dma_wait3A_80 : memref<1x128xi32, #tpu.memory_space<vmem>> -> memref<128xi32, #tpu.memory_space<vmem>>
      %dma_wait3A_82 = arith.constant 0 : i32
      %dma_wait3A_83 = arith.constant 0 : i32
      %dma_wait3A_84 = tpu.memref_slice %arg2[%dma_wait3A_82, %dma_wait3A_83] : memref<10000x128xf32, #tpu.memory_space<hbm>> -> memref<10000x128xf32, #tpu.memory_space<hbm>>
      tpu.wait_indirect_dma semaphore(%arg12 : memref<!tpu.dma_semaphore, #tpu.memory_space<semaphore_mem>>) src(%dma_wait3A_84 : memref<10000x128xf32, #tpu.memory_space<hbm>>) dst(%arg9 : memref<128x128xf32, #tpu.memory_space<vmem>>)
      %dma_start3A_85 = arith.constant 0 : i32
      %dma_start3A_86 = tpu.memref_slice %arg8[%mul3A_59, %dma_start3A_85] : memref<40x128xi32, #tpu.memory_space<vmem>> -> memref<1x128xi32, #tpu.memory_space<vmem>>
      %dma_start3A_87 = tpu.memref_squeeze %dma_start3A_86 : memref<1x128xi32, #tpu.memory_space<vmem>> -> memref<128xi32, #tpu.memory_space<vmem>>
      %dma_start3A_88 = arith.constant 0 : i32
      %dma_start3A_89 = arith.constant 0 : i32
      %dma_start3A_90 = tpu.memref_slice %arg11[%dma_start3A_88, %dma_start3A_89] : memref<10008x128xf32, #tpu.memory_space<vmem_shared>> -> memref<10008x128xf32, #tpu.memory_space<vmem_shared>>
      tpu.enqueue_indirect_dma source(%arg9 : memref<128x128xf32, #tpu.memory_space<vmem>>) target(%dma_start3A_90 : memref<10008x128xf32, #tpu.memory_space<vmem_shared>>) offsets(%dma_start3A_87 : memref<128xi32, #tpu.memory_space<vmem>>) semaphore(%arg14 : memref<!tpu.dma_semaphore, #tpu.memory_space<semaphore_mem>>) {add = true}
      %dma_wait3A_91 = arith.constant 0 : i32
      %dma_wait3A_92 = tpu.memref_slice %arg7[%add3A_63, %dma_wait3A_91] : memref<40x128xi32, #tpu.memory_space<vmem>> -> memref<1x128xi32, #tpu.memory_space<vmem>>
      %dma_wait3A_93 = tpu.memref_squeeze %dma_wait3A_92 : memref<1x128xi32, #tpu.memory_space<vmem>> -> memref<128xi32, #tpu.memory_space<vmem>>
      %dma_wait3A_94 = arith.constant 0 : i32
      %dma_wait3A_95 = arith.constant 0 : i32
      %dma_wait3A_96 = tpu.memref_slice %arg2[%dma_wait3A_94, %dma_wait3A_95] : memref<10000x128xf32, #tpu.memory_space<hbm>> -> memref<10000x128xf32, #tpu.memory_space<hbm>>
      tpu.wait_indirect_dma semaphore(%arg13 : memref<!tpu.dma_semaphore, #tpu.memory_space<semaphore_mem>>) src(%dma_wait3A_96 : memref<10000x128xf32, #tpu.memory_space<hbm>>) dst(%arg10 : memref<128x128xf32, #tpu.memory_space<vmem>>)
      %dma_start3A_97 = arith.constant 0 : i32
      %dma_start3A_98 = tpu.memref_slice %arg8[%add3A_63, %dma_start3A_97] : memref<40x128xi32, #tpu.memory_space<vmem>> -> memref<1x128xi32, #tpu.memory_space<vmem>>
      %dma_start3A_99 = tpu.memref_squeeze %dma_start3A_98 : memref<1x128xi32, #tpu.memory_space<vmem>> -> memref<128xi32, #tpu.memory_space<vmem>>
      %dma_start3A_100 = arith.constant 0 : i32
      %dma_start3A_101 = arith.constant 0 : i32
      %dma_start3A_102 = tpu.memref_slice %arg11[%dma_start3A_100, %dma_start3A_101] : memref<10008x128xf32, #tpu.memory_space<vmem_shared>> -> memref<10008x128xf32, #tpu.memory_space<vmem_shared>>
      tpu.enqueue_indirect_dma source(%arg10 : memref<128x128xf32, #tpu.memory_space<vmem>>) target(%dma_start3A_102 : memref<10008x128xf32, #tpu.memory_space<vmem_shared>>) offsets(%dma_start3A_99 : memref<128xi32, #tpu.memory_space<vmem>>) semaphore(%arg15 : memref<!tpu.dma_semaphore, #tpu.memory_space<semaphore_mem>>) {add = true}
    }
    %scan3A_28 = arith.constant 20 : i32
    %dma_wait3A_29 = arith.constant 0 : i32
    %dma_wait3A_30 = arith.constant 0 : i32
    %dma_wait3A_31 = tpu.memref_slice %arg8[%dma_wait3A_29, %dma_wait3A_30] : memref<40x128xi32, #tpu.memory_space<vmem>> -> memref<1x128xi32, #tpu.memory_space<vmem>>
    %dma_wait3A_32 = tpu.memref_squeeze %dma_wait3A_31 : memref<1x128xi32, #tpu.memory_space<vmem>> -> memref<128xi32, #tpu.memory_space<vmem>>
    %dma_wait3A_33 = arith.constant 0 : i32
    %dma_wait3A_34 = arith.constant 0 : i32
    %dma_wait3A_35 = tpu.memref_slice %arg11[%dma_wait3A_33, %dma_wait3A_34] : memref<10008x128xf32, #tpu.memory_space<vmem_shared>> -> memref<10008x128xf32, #tpu.memory_space<vmem_shared>>
    tpu.wait_indirect_dma semaphore(%arg14 : memref<!tpu.dma_semaphore, #tpu.memory_space<semaphore_mem>>) src(%arg9 : memref<128x128xf32, #tpu.memory_space<vmem>>) dst(%dma_wait3A_35 : memref<10008x128xf32, #tpu.memory_space<vmem_shared>>)
    %dma_wait3A_36 = arith.constant 0 : i32
    %dma_wait3A_37 = arith.constant 0 : i32
    %dma_wait3A_38 = tpu.memref_slice %arg8[%dma_wait3A_36, %dma_wait3A_37] : memref<40x128xi32, #tpu.memory_space<vmem>> -> memref<1x128xi32, #tpu.memory_space<vmem>>
    %dma_wait3A_39 = tpu.memref_squeeze %dma_wait3A_38 : memref<1x128xi32, #tpu.memory_space<vmem>> -> memref<128xi32, #tpu.memory_space<vmem>>
    %dma_wait3A_40 = arith.constant 0 : i32
    %dma_wait3A_41 = arith.constant 0 : i32
    %dma_wait3A_42 = tpu.memref_slice %arg11[%dma_wait3A_40, %dma_wait3A_41] : memref<10008x128xf32, #tpu.memory_space<vmem_shared>> -> memref<10008x128xf32, #tpu.memory_space<vmem_shared>>
    tpu.wait_indirect_dma semaphore(%arg15 : memref<!tpu.dma_semaphore, #tpu.memory_space<semaphore_mem>>) src(%arg10 : memref<128x128xf32, #tpu.memory_space<vmem>>) dst(%dma_wait3A_42 : memref<10008x128xf32, #tpu.memory_space<vmem_shared>>)
    %barrier3A_43 = arith.constant 0 : index
    tpu.barrier barrier_id(%barrier3A_43)
    %mul3A_44 = arith.constant 624 : i32
    %mul3A_45 = arith.muli %arg1, %mul3A_44 : i32
    %mul3A_46 = arith.constant 624 : i32
    %mul3A_47 = arith.muli %arg1, %mul3A_46 : i32
    "tpu.region"() ({
      %run_scoped3A = tpu.sem_alloc : memref<!tpu.dma_semaphore, #tpu.memory_space<semaphore_mem>>
      %dma_start3A = arith.constant 0 : i32
      %dma_start3A_53 = tpu.memref_slice %arg6[%arg0, %mul3A_47, %dma_start3A] : memref<2x10000x128xf32, #tpu.memory_space<hbm>> -> memref<1x624x128xf32, #tpu.memory_space<hbm>>
      %dma_start3A_54 = tpu.memref_squeeze %dma_start3A_53 : memref<1x624x128xf32, #tpu.memory_space<hbm>> -> memref<624x128xf32, #tpu.memory_space<hbm>>
      %dma_start3A_55 = arith.constant 0 : i32
      %dma_start3A_56 = tpu.memref_slice %arg11[%mul3A_45, %dma_start3A_55] : memref<10008x128xf32, #tpu.memory_space<vmem_shared>> -> memref<624x128xf32, #tpu.memory_space<vmem_shared>>
      tpu.enqueue_dma source(%dma_start3A_56 : memref<624x128xf32, #tpu.memory_space<vmem_shared>>) target(%dma_start3A_54 : memref<624x128xf32, #tpu.memory_space<hbm>>) target_semaphore(%run_scoped3A : memref<!tpu.dma_semaphore, #tpu.memory_space<semaphore_mem>>)
      %dma_wait3A_57 = arith.constant 0 : i32
      %dma_wait3A_58 = tpu.memref_slice %arg6[%arg0, %mul3A_47, %dma_wait3A_57] : memref<2x10000x128xf32, #tpu.memory_space<hbm>> -> memref<1x624x128xf32, #tpu.memory_space<hbm>>
      %dma_wait3A_59 = tpu.memref_squeeze %dma_wait3A_58 : memref<1x624x128xf32, #tpu.memory_space<hbm>> -> memref<624x128xf32, #tpu.memory_space<hbm>>
      %dma_wait3A_60 = arith.constant 0 : i32
      %dma_wait3A_61 = tpu.memref_slice %arg11[%mul3A_45, %dma_wait3A_60] : memref<10008x128xf32, #tpu.memory_space<vmem_shared>> -> memref<624x128xf32, #tpu.memory_space<vmem_shared>>
      tpu.wait_dma2 semaphore(%run_scoped3A : memref<!tpu.dma_semaphore, #tpu.memory_space<semaphore_mem>>) src(%dma_wait3A_61 : memref<624x128xf32, #tpu.memory_space<vmem_shared>>) dst(%dma_wait3A_59 : memref<624x128xf32, #tpu.memory_space<hbm>>)
      tpu.yield
    }) : () -> ()
    %eq3A_48 = arith.constant 0 : i32
    %eq3A_49 = arith.cmpi eq, %arg1, %eq3A_48 : i32
    %convert_element_type3A_50 = arith.extui %eq3A_49 : i1 to i32
    %cond3A_51 = arith.constant 0 : i32
    %cond3A_52 = arith.cmpi ne, %convert_element_type3A_50, %cond3A_51 : i32
    scf.if %cond3A_52 {
      "tpu.region"() ({
        %run_scoped3A = tpu.sem_alloc : memref<!tpu.dma_semaphore, #tpu.memory_space<semaphore_mem>>
        %dma_start3A = arith.constant 9984 : i32
        %dma_start3A_53 = arith.constant 0 : i32
        %dma_start3A_54 = tpu.memref_slice %arg6[%arg0, %dma_start3A, %dma_start3A_53] : memref<2x10000x128xf32, #tpu.memory_space<hbm>> -> memref<1x16x128xf32, #tpu.memory_space<hbm>>
        %dma_start3A_55 = tpu.memref_squeeze %dma_start3A_54 : memref<1x16x128xf32, #tpu.memory_space<hbm>> -> memref<16x128xf32, #tpu.memory_space<hbm>>
        %dma_start3A_56 = arith.constant 9984 : i32
        %dma_start3A_57 = arith.constant 0 : i32
        %dma_start3A_58 = tpu.memref_slice %arg11[%dma_start3A_56, %dma_start3A_57] : memref<10008x128xf32, #tpu.memory_space<vmem_shared>> -> memref<16x128xf32, #tpu.memory_space<vmem_shared>>
        tpu.enqueue_dma source(%dma_start3A_58 : memref<16x128xf32, #tpu.memory_space<vmem_shared>>) target(%dma_start3A_55 : memref<16x128xf32, #tpu.memory_space<hbm>>) target_semaphore(%run_scoped3A : memref<!tpu.dma_semaphore, #tpu.memory_space<semaphore_mem>>)
        %dma_wait3A_59 = arith.constant 9984 : i32
        %dma_wait3A_60 = arith.constant 0 : i32
        %dma_wait3A_61 = tpu.memref_slice %arg6[%arg0, %dma_wait3A_59, %dma_wait3A_60] : memref<2x10000x128xf32, #tpu.memory_space<hbm>> -> memref<1x16x128xf32, #tpu.memory_space<hbm>>
        %dma_wait3A_62 = tpu.memref_squeeze %dma_wait3A_61 : memref<1x16x128xf32, #tpu.memory_space<hbm>> -> memref<16x128xf32, #tpu.memory_space<hbm>>
        %dma_wait3A_63 = arith.constant 9984 : i32
        %dma_wait3A_64 = arith.constant 0 : i32
        %dma_wait3A_65 = tpu.memref_slice %arg11[%dma_wait3A_63, %dma_wait3A_64] : memref<10008x128xf32, #tpu.memory_space<vmem_shared>> -> memref<16x128xf32, #tpu.memory_space<vmem_shared>>
        tpu.wait_dma2 semaphore(%run_scoped3A : memref<!tpu.dma_semaphore, #tpu.memory_space<semaphore_mem>>) src(%dma_wait3A_65 : memref<16x128xf32, #tpu.memory_space<vmem_shared>>) dst(%dma_wait3A_62 : memref<16x128xf32, #tpu.memory_space<hbm>>)
        tpu.yield
      }) : () -> ()
    } else {
    }
    return
  }
}

#map = affine_map<(d0, d1) -> (0, 0)>
#map1 = affine_map<(d0, d1) -> (0)>
module attributes {stable_mosaic.version = 14 : i64} {
  func.func @deg_kernel(%arg0: i32, %arg1: i32, %arg2: memref<32x10000xi32, #tpu.memory_space<hbm>>, %arg3: memref<80000xf32, #tpu.memory_space<hbm>>, %arg4: memref<2560000xf32, #tpu.memory_space<hbm>>, %arg5: memref<10000xi32, #tpu.memory_space<vmem>>, %arg6: memref<80000xf32, #tpu.memory_space<vmem>>) attributes {dimension_semantics = [#tpu.dimension_semantics<core_parallel>, #tpu.dimension_semantics<subcore_parallel>], iteration_bounds = array<i64: 2, 16>, scalar_prefetch = 0 : i64, scratch_operands = 2 : i64, tpu.core_type = #tpu.core_type<sc_vector_subcore>, window_params = [{transform_indices = #map}, {transform_indices = #map1}, {transform_indices = #map1}]} {
    %mul3A = arith.constant 16 : i32
    %mul3A_0 = arith.muli %arg0, %mul3A : i32
    %add3A = arith.addi %mul3A_0, %arg1 : i32
    "tpu.region"() ({
      %run_scoped3A = tpu.sem_alloc : memref<!tpu.dma_semaphore, #tpu.memory_space<semaphore_mem>>
      tpu.enqueue_dma source(%arg3 : memref<80000xf32, #tpu.memory_space<hbm>>) target(%arg6 : memref<80000xf32, #tpu.memory_space<vmem>>) target_semaphore(%run_scoped3A : memref<!tpu.dma_semaphore, #tpu.memory_space<semaphore_mem>>)
      tpu.wait_dma2 semaphore(%run_scoped3A : memref<!tpu.dma_semaphore, #tpu.memory_space<semaphore_mem>>) src(%arg3 : memref<80000xf32, #tpu.memory_space<hbm>>) dst(%arg6 : memref<80000xf32, #tpu.memory_space<vmem>>)
      tpu.yield
    }) : () -> ()
    "tpu.region"() ({
      %run_scoped3A = tpu.sem_alloc : memref<!tpu.dma_semaphore, #tpu.memory_space<semaphore_mem>>
      %dma_start3A = arith.constant 0 : i32
      %dma_start3A_19 = tpu.memref_slice %arg2[%add3A, %dma_start3A] : memref<32x10000xi32, #tpu.memory_space<hbm>> -> memref<1x10000xi32, #tpu.memory_space<hbm>>
      %dma_start3A_20 = tpu.memref_squeeze %dma_start3A_19 : memref<1x10000xi32, #tpu.memory_space<hbm>> -> memref<10000xi32, #tpu.memory_space<hbm>>
      %dma_start3A_21 = arith.constant 0 : i32
      %dma_start3A_22 = tpu.memref_slice %arg2[%add3A, %dma_start3A_21] : memref<32x10000xi32, #tpu.memory_space<hbm>> -> memref<1x10000xi32, #tpu.memory_space<hbm>>
      %dma_start3A_23 = tpu.memref_squeeze %dma_start3A_22 : memref<1x10000xi32, #tpu.memory_space<hbm>> -> memref<10000xi32, #tpu.memory_space<hbm>>
      tpu.enqueue_dma source(%dma_start3A_23 : memref<10000xi32, #tpu.memory_space<hbm>>) target(%arg5 : memref<10000xi32, #tpu.memory_space<vmem>>) target_semaphore(%run_scoped3A : memref<!tpu.dma_semaphore, #tpu.memory_space<semaphore_mem>>)
      %dma_wait3A = arith.constant 0 : i32
      %dma_wait3A_24 = tpu.memref_slice %arg2[%add3A, %dma_wait3A] : memref<32x10000xi32, #tpu.memory_space<hbm>> -> memref<1x10000xi32, #tpu.memory_space<hbm>>
      %dma_wait3A_25 = tpu.memref_squeeze %dma_wait3A_24 : memref<1x10000xi32, #tpu.memory_space<hbm>> -> memref<10000xi32, #tpu.memory_space<hbm>>
      %dma_wait3A_26 = arith.constant 0 : i32
      %dma_wait3A_27 = tpu.memref_slice %arg2[%add3A, %dma_wait3A_26] : memref<32x10000xi32, #tpu.memory_space<hbm>> -> memref<1x10000xi32, #tpu.memory_space<hbm>>
      %dma_wait3A_28 = tpu.memref_squeeze %dma_wait3A_27 : memref<1x10000xi32, #tpu.memory_space<hbm>> -> memref<10000xi32, #tpu.memory_space<hbm>>
      tpu.wait_dma2 semaphore(%run_scoped3A : memref<!tpu.dma_semaphore, #tpu.memory_space<semaphore_mem>>) src(%dma_wait3A_28 : memref<10000xi32, #tpu.memory_space<hbm>>) dst(%arg5 : memref<10000xi32, #tpu.memory_space<vmem>>)
      tpu.yield
    }) : () -> ()
    %iota3A = tpu.iota {dimensions = array<i32: 0>} : vector<16xi32>
    %and3A = arith.constant 7 : i32
    %and3A_1 = vector.broadcast %and3A : i32 to vector<16xi32>
    %and3A_2 = arith.andi %iota3A, %and3A_1 : vector<16xi32>
    %mul3A_3 = arith.constant 10000 : i32
    %mul3A_4 = vector.broadcast %mul3A_3 : i32 to vector<16xi32>
    %mul3A_5 = arith.muli %and3A_2, %mul3A_4 : vector<16xi32>
    %lt3A = arith.constant 8 : i32
    %lt3A_6 = vector.broadcast %lt3A : i32 to vector<16xi32>
    %lt3A_7 = arith.cmpi slt, %iota3A, %lt3A_6 : vector<16xi32>
    %ge3A = arith.constant 8 : i32
    %ge3A_8 = vector.broadcast %ge3A : i32 to vector<16xi32>
    %ge3A_9 = arith.cmpi sge, %iota3A, %ge3A_8 : vector<16xi32>
    %broadcast_in_dim3A = arith.constant 1.000000e+00 : f32
    %broadcast_in_dim3A_10 = vector.broadcast %broadcast_in_dim3A : f32 to vector<16xf32>
    %scan3A = arith.constant 0 : i32
    %scan3A_11 = arith.constant 625 : i32
    %scan3A_12 = arith.addi %scan3A, %scan3A_11 : i32
    %scan3A_13 = arith.constant 1 : i32
    scf.for %scan3A_19 = %scan3A to %scan3A_12 step %scan3A_13  : i32 {
      %mul3A_20 = arith.constant 1 : i32
      %mul3A_21 = arith.muli %scan3A_19, %mul3A_20 : i32
      %add3A_22 = arith.constant 0 : i32
      %add3A_23 = arith.addi %add3A_22, %mul3A_21 : i32
      %mul3A_24 = arith.constant 16 : i32
      %mul3A_25 = arith.muli %add3A_23, %mul3A_24 : i32
      %get3A = arith.index_cast %mul3A_25 : i32 to index
      %get3A_26 = tpu.vector_load %arg5[%get3A] {strides = array<i32>} : memref<10000xi32, #tpu.memory_space<vmem>>, vector<16xi32>,
      %add3A_27 = arith.addi %mul3A_5, %get3A_26 : vector<16xi32>
      tpu.vector_store_idx %arg6[%add3A_27], %broadcast_in_dim3A_10 masked %lt3A_7 {add = true} : memref<80000xf32, #tpu.memory_space<vmem>>[vector<16xi32>], vector<16xf32>, vector<16xi1>
      tpu.vector_store_idx %arg6[%add3A_27], %broadcast_in_dim3A_10 masked %ge3A_9 {add = true} : memref<80000xf32, #tpu.memory_space<vmem>>[vector<16xi32>], vector<16xf32>, vector<16xi1>
    }
    %scan3A_14 = arith.constant 625 : i32
    %mul3A_15 = arith.constant 8 : i32
    %mul3A_16 = arith.muli %add3A, %mul3A_15 : i32
    %mul3A_17 = arith.constant 10000 : i32
    %mul3A_18 = arith.muli %mul3A_16, %mul3A_17 : i32
    "tpu.region"() ({
      %run_scoped3A = tpu.sem_alloc : memref<!tpu.dma_semaphore, #tpu.memory_space<semaphore_mem>>
      %dma_start3A = tpu.memref_slice %arg4[%mul3A_18] : memref<2560000xf32, #tpu.memory_space<hbm>> -> memref<80000xf32, #tpu.memory_space<hbm>>
      %dma_start3A_19 = tpu.memref_slice %arg4[%mul3A_18] : memref<2560000xf32, #tpu.memory_space<hbm>> -> memref<80000xf32, #tpu.memory_space<hbm>>
      tpu.enqueue_dma source(%arg6 : memref<80000xf32, #tpu.memory_space<vmem>>) target(%dma_start3A_19 : memref<80000xf32, #tpu.memory_space<hbm>>) target_semaphore(%run_scoped3A : memref<!tpu.dma_semaphore, #tpu.memory_space<semaphore_mem>>)
      %dma_wait3A = tpu.memref_slice %arg4[%mul3A_18] : memref<2560000xf32, #tpu.memory_space<hbm>> -> memref<80000xf32, #tpu.memory_space<hbm>>
      %dma_wait3A_20 = tpu.memref_slice %arg4[%mul3A_18] : memref<2560000xf32, #tpu.memory_space<hbm>> -> memref<80000xf32, #tpu.memory_space<hbm>>
      tpu.wait_dma2 semaphore(%run_scoped3A : memref<!tpu.dma_semaphore, #tpu.memory_space<semaphore_mem>>) src(%arg6 : memref<80000xf32, #tpu.memory_space<vmem>>) dst(%dma_wait3A_20 : memref<80000xf32, #tpu.memory_space<hbm>>)
      tpu.yield
    }) : () -> ()
    return
  }
}

#map = affine_map<(d0, d1) -> (0, 0)>
#map1 = affine_map<(d0, d1) -> (0, 0, 0)>
module attributes {stable_mosaic.version = 14 : i64} {
  func.func @gs_kernel(%arg0: i32, %arg1: i32, %arg2: memref<10000x128xf32, #tpu.memory_space<hbm>>, %arg3: memref<32x80x128xi32, #tpu.memory_space<hbm>>, %arg4: memref<32x80x128xi32, #tpu.memory_space<hbm>>, %arg5: memref<10008x128xf32, #tpu.memory_space<hbm>>, %arg6: memref<2x10000x128xf32, #tpu.memory_space<hbm>>, %arg7: memref<40x128xi32, #tpu.memory_space<vmem>>, %arg8: memref<40x128xi32, #tpu.memory_space<vmem>>, %arg9: memref<128x128xf32, #tpu.memory_space<vmem>>, %arg10: memref<128x128xf32, #tpu.memory_space<vmem>>, %arg11: memref<10008x128xf32, #tpu.memory_space<vmem_shared>>, %arg12: memref<!tpu.dma_semaphore, #tpu.memory_space<semaphore_mem>>, %arg13: memref<!tpu.dma_semaphore, #tpu.memory_space<semaphore_mem>>, %arg14: memref<!tpu.dma_semaphore, #tpu.memory_space<semaphore_mem>>, %arg15: memref<!tpu.dma_semaphore, #tpu.memory_space<semaphore_mem>>) attributes {dimension_semantics = [#tpu.dimension_semantics<core_parallel>, #tpu.dimension_semantics<subcore_parallel>], iteration_bounds = array<i64: 2, 16>, scalar_prefetch = 0 : i64, scratch_operands = 9 : i64, tpu.core_type = #tpu.core_type<sc_vector_subcore>, window_params = [{transform_indices = #map}, {transform_indices = #map1}, {transform_indices = #map1}, {transform_indices = #map}, {transform_indices = #map1}]} {
    %mul3A = arith.constant 16 : i32
    %mul3A_0 = arith.muli %arg0, %mul3A : i32
    %add3A = arith.addi %mul3A_0, %arg1 : i32
    %mul3A_1 = arith.constant 624 : i32
    %mul3A_2 = arith.muli %arg1, %mul3A_1 : i32
    %mul3A_3 = arith.constant 624 : i32
    %mul3A_4 = arith.muli %arg1, %mul3A_3 : i32
    "tpu.region"() ({
      %run_scoped3A = tpu.sem_alloc : memref<!tpu.dma_semaphore, #tpu.memory_space<semaphore_mem>>
      %dma_start3A = arith.constant 0 : i32
      %dma_start3A_53 = tpu.memref_slice %arg11[%mul3A_4, %dma_start3A] : memref<10008x128xf32, #tpu.memory_space<vmem_shared>> -> memref<624x128xf32, #tpu.memory_space<vmem_shared>>
      %dma_start3A_54 = arith.constant 0 : i32
      %dma_start3A_55 = tpu.memref_slice %arg5[%mul3A_2, %dma_start3A_54] : memref<10008x128xf32, #tpu.memory_space<hbm>> -> memref<624x128xf32, #tpu.memory_space<hbm>>
      tpu.enqueue_dma source(%dma_start3A_55 : memref<624x128xf32, #tpu.memory_space<hbm>>) target(%dma_start3A_53 : memref<624x128xf32, #tpu.memory_space<vmem_shared>>) target_semaphore(%run_scoped3A : memref<!tpu.dma_semaphore, #tpu.memory_space<semaphore_mem>>)
      %dma_wait3A_56 = arith.constant 0 : i32
      %dma_wait3A_57 = tpu.memref_slice %arg11[%mul3A_4, %dma_wait3A_56] : memref<10008x128xf32, #tpu.memory_space<vmem_shared>> -> memref<624x128xf32, #tpu.memory_space<vmem_shared>>
      %dma_wait3A_58 = arith.constant 0 : i32
      %dma_wait3A_59 = tpu.memref_slice %arg5[%mul3A_2, %dma_wait3A_58] : memref<10008x128xf32, #tpu.memory_space<hbm>> -> memref<624x128xf32, #tpu.memory_space<hbm>>
      tpu.wait_dma2 semaphore(%run_scoped3A : memref<!tpu.dma_semaphore, #tpu.memory_space<semaphore_mem>>) src(%dma_wait3A_59 : memref<624x128xf32, #tpu.memory_space<hbm>>) dst(%dma_wait3A_57 : memref<624x128xf32, #tpu.memory_space<vmem_shared>>)
      tpu.yield
    }) : () -> ()
    %eq3A = arith.constant 0 : i32
    %eq3A_5 = arith.cmpi eq, %arg1, %eq3A : i32
    %convert_element_type3A = arith.extui %eq3A_5 : i1 to i32
    %cond3A = arith.constant 0 : i32
    %cond3A_6 = arith.cmpi ne, %convert_element_type3A, %cond3A : i32
    scf.if %cond3A_6 {
      "tpu.region"() ({
        %run_scoped3A = tpu.sem_alloc : memref<!tpu.dma_semaphore, #tpu.memory_space<semaphore_mem>>
        %dma_start3A = arith.constant 9984 : i32
        %dma_start3A_53 = arith.constant 0 : i32
        %dma_start3A_54 = tpu.memref_slice %arg11[%dma_start3A, %dma_start3A_53] : memref<10008x128xf32, #tpu.memory_space<vmem_shared>> -> memref<24x128xf32, #tpu.memory_space<vmem_shared>>
        %dma_start3A_55 = arith.constant 9984 : i32
        %dma_start3A_56 = arith.constant 0 : i32
        %dma_start3A_57 = tpu.memref_slice %arg5[%dma_start3A_55, %dma_start3A_56] : memref<10008x128xf32, #tpu.memory_space<hbm>> -> memref<24x128xf32, #tpu.memory_space<hbm>>
        tpu.enqueue_dma source(%dma_start3A_57 : memref<24x128xf32, #tpu.memory_space<hbm>>) target(%dma_start3A_54 : memref<24x128xf32, #tpu.memory_space<vmem_shared>>) target_semaphore(%run_scoped3A : memref<!tpu.dma_semaphore, #tpu.memory_space<semaphore_mem>>)
        %dma_wait3A_58 = arith.constant 9984 : i32
        %dma_wait3A_59 = arith.constant 0 : i32
        %dma_wait3A_60 = tpu.memref_slice %arg11[%dma_wait3A_58, %dma_wait3A_59] : memref<10008x128xf32, #tpu.memory_space<vmem_shared>> -> memref<24x128xf32, #tpu.memory_space<vmem_shared>>
        %dma_wait3A_61 = arith.constant 9984 : i32
        %dma_wait3A_62 = arith.constant 0 : i32
        %dma_wait3A_63 = tpu.memref_slice %arg5[%dma_wait3A_61, %dma_wait3A_62] : memref<10008x128xf32, #tpu.memory_space<hbm>> -> memref<24x128xf32, #tpu.memory_space<hbm>>
        tpu.wait_dma2 semaphore(%run_scoped3A : memref<!tpu.dma_semaphore, #tpu.memory_space<semaphore_mem>>) src(%dma_wait3A_63 : memref<24x128xf32, #tpu.memory_space<hbm>>) dst(%dma_wait3A_60 : memref<24x128xf32, #tpu.memory_space<vmem_shared>>)
        tpu.yield
      }) : () -> ()
    } else {
    }
    %barrier3A = arith.constant 0 : index
    tpu.barrier barrier_id(%barrier3A)
    "tpu.region"() ({
      %run_scoped3A = tpu.sem_alloc : memref<!tpu.dma_semaphore, #tpu.memory_space<semaphore_mem>>
      %dma_start3A = arith.constant 0 : i32
      %dma_start3A_53 = arith.constant 0 : i32
      %dma_start3A_54 = tpu.memref_slice %arg3[%add3A, %dma_start3A, %dma_start3A_53] : memref<32x80x128xi32, #tpu.memory_space<hbm>> -> memref<1x40x128xi32, #tpu.memory_space<hbm>>
      %dma_start3A_55 = tpu.memref_squeeze %dma_start3A_54 : memref<1x40x128xi32, #tpu.memory_space<hbm>> -> memref<40x128xi32, #tpu.memory_space<hbm>>
      %dma_start3A_56 = arith.constant 0 : i32
      %dma_start3A_57 = arith.constant 0 : i32
      %dma_start3A_58 = tpu.memref_slice %arg3[%add3A, %dma_start3A_56, %dma_start3A_57] : memref<32x80x128xi32, #tpu.memory_space<hbm>> -> memref<1x40x128xi32, #tpu.memory_space<hbm>>
      %dma_start3A_59 = tpu.memref_squeeze %dma_start3A_58 : memref<1x40x128xi32, #tpu.memory_space<hbm>> -> memref<40x128xi32, #tpu.memory_space<hbm>>
      tpu.enqueue_dma source(%dma_start3A_59 : memref<40x128xi32, #tpu.memory_space<hbm>>) target(%arg7 : memref<40x128xi32, #tpu.memory_space<vmem>>) target_semaphore(%run_scoped3A : memref<!tpu.dma_semaphore, #tpu.memory_space<semaphore_mem>>)
      %dma_wait3A_60 = arith.constant 0 : i32
      %dma_wait3A_61 = arith.constant 0 : i32
      %dma_wait3A_62 = tpu.memref_slice %arg3[%add3A, %dma_wait3A_60, %dma_wait3A_61] : memref<32x80x128xi32, #tpu.memory_space<hbm>> -> memref<1x40x128xi32, #tpu.memory_space<hbm>>
      %dma_wait3A_63 = tpu.memref_squeeze %dma_wait3A_62 : memref<1x40x128xi32, #tpu.memory_space<hbm>> -> memref<40x128xi32, #tpu.memory_space<hbm>>
      %dma_wait3A_64 = arith.constant 0 : i32
      %dma_wait3A_65 = arith.constant 0 : i32
      %dma_wait3A_66 = tpu.memref_slice %arg3[%add3A, %dma_wait3A_64, %dma_wait3A_65] : memref<32x80x128xi32, #tpu.memory_space<hbm>> -> memref<1x40x128xi32, #tpu.memory_space<hbm>>
      %dma_wait3A_67 = tpu.memref_squeeze %dma_wait3A_66 : memref<1x40x128xi32, #tpu.memory_space<hbm>> -> memref<40x128xi32, #tpu.memory_space<hbm>>
      tpu.wait_dma2 semaphore(%run_scoped3A : memref<!tpu.dma_semaphore, #tpu.memory_space<semaphore_mem>>) src(%dma_wait3A_67 : memref<40x128xi32, #tpu.memory_space<hbm>>) dst(%arg7 : memref<40x128xi32, #tpu.memory_space<vmem>>)
      tpu.yield
    }) : () -> ()
    "tpu.region"() ({
      %run_scoped3A = tpu.sem_alloc : memref<!tpu.dma_semaphore, #tpu.memory_space<semaphore_mem>>
      %dma_start3A = arith.constant 0 : i32
      %dma_start3A_53 = arith.constant 0 : i32
      %dma_start3A_54 = tpu.memref_slice %arg4[%add3A, %dma_start3A, %dma_start3A_53] : memref<32x80x128xi32, #tpu.memory_space<hbm>> -> memref<1x40x128xi32, #tpu.memory_space<hbm>>
      %dma_start3A_55 = tpu.memref_squeeze %dma_start3A_54 : memref<1x40x128xi32, #tpu.memory_space<hbm>> -> memref<40x128xi32, #tpu.memory_space<hbm>>
      %dma_start3A_56 = arith.constant 0 : i32
      %dma_start3A_57 = arith.constant 0 : i32
      %dma_start3A_58 = tpu.memref_slice %arg4[%add3A, %dma_start3A_56, %dma_start3A_57] : memref<32x80x128xi32, #tpu.memory_space<hbm>> -> memref<1x40x128xi32, #tpu.memory_space<hbm>>
      %dma_start3A_59 = tpu.memref_squeeze %dma_start3A_58 : memref<1x40x128xi32, #tpu.memory_space<hbm>> -> memref<40x128xi32, #tpu.memory_space<hbm>>
      tpu.enqueue_dma source(%dma_start3A_59 : memref<40x128xi32, #tpu.memory_space<hbm>>) target(%arg8 : memref<40x128xi32, #tpu.memory_space<vmem>>) target_semaphore(%run_scoped3A : memref<!tpu.dma_semaphore, #tpu.memory_space<semaphore_mem>>)
      %dma_wait3A_60 = arith.constant 0 : i32
      %dma_wait3A_61 = arith.constant 0 : i32
      %dma_wait3A_62 = tpu.memref_slice %arg4[%add3A, %dma_wait3A_60, %dma_wait3A_61] : memref<32x80x128xi32, #tpu.memory_space<hbm>> -> memref<1x40x128xi32, #tpu.memory_space<hbm>>
      %dma_wait3A_63 = tpu.memref_squeeze %dma_wait3A_62 : memref<1x40x128xi32, #tpu.memory_space<hbm>> -> memref<40x128xi32, #tpu.memory_space<hbm>>
      %dma_wait3A_64 = arith.constant 0 : i32
      %dma_wait3A_65 = arith.constant 0 : i32
      %dma_wait3A_66 = tpu.memref_slice %arg4[%add3A, %dma_wait3A_64, %dma_wait3A_65] : memref<32x80x128xi32, #tpu.memory_space<hbm>> -> memref<1x40x128xi32, #tpu.memory_space<hbm>>
      %dma_wait3A_67 = tpu.memref_squeeze %dma_wait3A_66 : memref<1x40x128xi32, #tpu.memory_space<hbm>> -> memref<40x128xi32, #tpu.memory_space<hbm>>
      tpu.wait_dma2 semaphore(%run_scoped3A : memref<!tpu.dma_semaphore, #tpu.memory_space<semaphore_mem>>) src(%dma_wait3A_67 : memref<40x128xi32, #tpu.memory_space<hbm>>) dst(%arg8 : memref<40x128xi32, #tpu.memory_space<vmem>>)
      tpu.yield
    }) : () -> ()
    %scan3A = arith.constant 0 : i32
    %scan3A_7 = arith.constant 20 : i32
    %scan3A_8 = arith.addi %scan3A, %scan3A_7 : i32
    %scan3A_9 = arith.constant 1 : i32
    scf.for %scan3A_53 = %scan3A to %scan3A_8 step %scan3A_9  : i32 {
      %mul3A_54 = arith.constant 1 : i32
      %mul3A_55 = arith.muli %scan3A_53, %mul3A_54 : i32
      %add3A_56 = arith.constant 0 : i32
      %add3A_57 = arith.addi %add3A_56, %mul3A_55 : i32
      %mul3A_58 = arith.constant 2 : i32
      %mul3A_59 = arith.muli %mul3A_58, %add3A_57 : i32
      %mul3A_60 = arith.constant 2 : i32
      %mul3A_61 = arith.muli %mul3A_60, %add3A_57 : i32
      %add3A_62 = arith.constant 1 : i32
      %add3A_63 = arith.addi %mul3A_61, %add3A_62 : i32
      %gt3A = arith.constant 0 : i32
      %gt3A_64 = arith.cmpi sgt, %add3A_57, %gt3A : i32
      %convert_element_type3A_65 = arith.extui %gt3A_64 : i1 to i32
      %cond3A_66 = arith.constant 0 : i32
      %cond3A_67 = arith.cmpi ne, %convert_element_type3A_65, %cond3A_66 : i32
      scf.if %cond3A_67 {
        %dma_wait3A_103 = arith.constant 0 : i32
        %dma_wait3A_104 = tpu.memref_slice %arg8[%mul3A_59, %dma_wait3A_103] : memref<40x128xi32, #tpu.memory_space<vmem>> -> memref<1x128xi32, #tpu.memory_space<vmem>>
        %dma_wait3A_105 = tpu.memref_squeeze %dma_wait3A_104 : memref<1x128xi32, #tpu.memory_space<vmem>> -> memref<128xi32, #tpu.memory_space<vmem>>
        %dma_wait3A_106 = arith.constant 0 : i32
        %dma_wait3A_107 = arith.constant 0 : i32
        %dma_wait3A_108 = tpu.memref_slice %arg11[%dma_wait3A_106, %dma_wait3A_107] : memref<10008x128xf32, #tpu.memory_space<vmem_shared>> -> memref<10008x128xf32, #tpu.memory_space<vmem_shared>>
        tpu.wait_indirect_dma semaphore(%arg14 : memref<!tpu.dma_semaphore, #tpu.memory_space<semaphore_mem>>) src(%arg9 : memref<128x128xf32, #tpu.memory_space<vmem>>) dst(%dma_wait3A_108 : memref<10008x128xf32, #tpu.memory_space<vmem_shared>>)
        %dma_wait3A_109 = arith.constant 0 : i32
        %dma_wait3A_110 = tpu.memref_slice %arg8[%add3A_63, %dma_wait3A_109] : memref<40x128xi32, #tpu.memory_space<vmem>> -> memref<1x128xi32, #tpu.memory_space<vmem>>
        %dma_wait3A_111 = tpu.memref_squeeze %dma_wait3A_110 : memref<1x128xi32, #tpu.memory_space<vmem>> -> memref<128xi32, #tpu.memory_space<vmem>>
        %dma_wait3A_112 = arith.constant 0 : i32
        %dma_wait3A_113 = arith.constant 0 : i32
        %dma_wait3A_114 = tpu.memref_slice %arg11[%dma_wait3A_112, %dma_wait3A_113] : memref<10008x128xf32, #tpu.memory_space<vmem_shared>> -> memref<10008x128xf32, #tpu.memory_space<vmem_shared>>
        tpu.wait_indirect_dma semaphore(%arg15 : memref<!tpu.dma_semaphore, #tpu.memory_space<semaphore_mem>>) src(%arg10 : memref<128x128xf32, #tpu.memory_space<vmem>>) dst(%dma_wait3A_114 : memref<10008x128xf32, #tpu.memory_space<vmem_shared>>)
      } else {
      }
      %dma_start3A = arith.constant 0 : i32
      %dma_start3A_68 = tpu.memref_slice %arg7[%mul3A_59, %dma_start3A] : memref<40x128xi32, #tpu.memory_space<vmem>> -> memref<1x128xi32, #tpu.memory_space<vmem>>
      %dma_start3A_69 = tpu.memref_squeeze %dma_start3A_68 : memref<1x128xi32, #tpu.memory_space<vmem>> -> memref<128xi32, #tpu.memory_space<vmem>>
      %dma_start3A_70 = arith.constant 0 : i32
      %dma_start3A_71 = arith.constant 0 : i32
      %dma_start3A_72 = tpu.memref_slice %arg2[%dma_start3A_70, %dma_start3A_71] : memref<10000x128xf32, #tpu.memory_space<hbm>> -> memref<10000x128xf32, #tpu.memory_space<hbm>>
      tpu.enqueue_indirect_dma source(%dma_start3A_72 : memref<10000x128xf32, #tpu.memory_space<hbm>>) target(%arg9 : memref<128x128xf32, #tpu.memory_space<vmem>>) offsets(%dma_start3A_69 : memref<128xi32, #tpu.memory_space<vmem>>) semaphore(%arg12 : memref<!tpu.dma_semaphore, #tpu.memory_space<semaphore_mem>>)
      %dma_start3A_73 = arith.constant 0 : i32
      %dma_start3A_74 = tpu.memref_slice %arg7[%add3A_63, %dma_start3A_73] : memref<40x128xi32, #tpu.memory_space<vmem>> -> memref<1x128xi32, #tpu.memory_space<vmem>>
      %dma_start3A_75 = tpu.memref_squeeze %dma_start3A_74 : memref<1x128xi32, #tpu.memory_space<vmem>> -> memref<128xi32, #tpu.memory_space<vmem>>
      %dma_start3A_76 = arith.constant 0 : i32
      %dma_start3A_77 = arith.constant 0 : i32
      %dma_start3A_78 = tpu.memref_slice %arg2[%dma_start3A_76, %dma_start3A_77] : memref<10000x128xf32, #tpu.memory_space<hbm>> -> memref<10000x128xf32, #tpu.memory_space<hbm>>
      tpu.enqueue_indirect_dma source(%dma_start3A_78 : memref<10000x128xf32, #tpu.memory_space<hbm>>) target(%arg10 : memref<128x128xf32, #tpu.memory_space<vmem>>) offsets(%dma_start3A_75 : memref<128xi32, #tpu.memory_space<vmem>>) semaphore(%arg13 : memref<!tpu.dma_semaphore, #tpu.memory_space<semaphore_mem>>)
      %dma_wait3A_79 = arith.constant 0 : i32
      %dma_wait3A_80 = tpu.memref_slice %arg7[%mul3A_59, %dma_wait3A_79] : memref<40x128xi32, #tpu.memory_space<vmem>> -> memref<1x128xi32, #tpu.memory_space<vmem>>
      %dma_wait3A_81 = tpu.memref_squeeze %dma_wait3A_80 : memref<1x128xi32, #tpu.memory_space<vmem>> -> memref<128xi32, #tpu.memory_space<vmem>>
      %dma_wait3A_82 = arith.constant 0 : i32
      %dma_wait3A_83 = arith.constant 0 : i32
      %dma_wait3A_84 = tpu.memref_slice %arg2[%dma_wait3A_82, %dma_wait3A_83] : memref<10000x128xf32, #tpu.memory_space<hbm>> -> memref<10000x128xf32, #tpu.memory_space<hbm>>
      tpu.wait_indirect_dma semaphore(%arg12 : memref<!tpu.dma_semaphore, #tpu.memory_space<semaphore_mem>>) src(%dma_wait3A_84 : memref<10000x128xf32, #tpu.memory_space<hbm>>) dst(%arg9 : memref<128x128xf32, #tpu.memory_space<vmem>>)
      %dma_start3A_85 = arith.constant 0 : i32
      %dma_start3A_86 = tpu.memref_slice %arg8[%mul3A_59, %dma_start3A_85] : memref<40x128xi32, #tpu.memory_space<vmem>> -> memref<1x128xi32, #tpu.memory_space<vmem>>
      %dma_start3A_87 = tpu.memref_squeeze %dma_start3A_86 : memref<1x128xi32, #tpu.memory_space<vmem>> -> memref<128xi32, #tpu.memory_space<vmem>>
      %dma_start3A_88 = arith.constant 0 : i32
      %dma_start3A_89 = arith.constant 0 : i32
      %dma_start3A_90 = tpu.memref_slice %arg11[%dma_start3A_88, %dma_start3A_89] : memref<10008x128xf32, #tpu.memory_space<vmem_shared>> -> memref<10008x128xf32, #tpu.memory_space<vmem_shared>>
      tpu.enqueue_indirect_dma source(%arg9 : memref<128x128xf32, #tpu.memory_space<vmem>>) target(%dma_start3A_90 : memref<10008x128xf32, #tpu.memory_space<vmem_shared>>) offsets(%dma_start3A_87 : memref<128xi32, #tpu.memory_space<vmem>>) semaphore(%arg14 : memref<!tpu.dma_semaphore, #tpu.memory_space<semaphore_mem>>) {add = true}
      %dma_wait3A_91 = arith.constant 0 : i32
      %dma_wait3A_92 = tpu.memref_slice %arg7[%add3A_63, %dma_wait3A_91] : memref<40x128xi32, #tpu.memory_space<vmem>> -> memref<1x128xi32, #tpu.memory_space<vmem>>
      %dma_wait3A_93 = tpu.memref_squeeze %dma_wait3A_92 : memref<1x128xi32, #tpu.memory_space<vmem>> -> memref<128xi32, #tpu.memory_space<vmem>>
      %dma_wait3A_94 = arith.constant 0 : i32
      %dma_wait3A_95 = arith.constant 0 : i32
      %dma_wait3A_96 = tpu.memref_slice %arg2[%dma_wait3A_94, %dma_wait3A_95] : memref<10000x128xf32, #tpu.memory_space<hbm>> -> memref<10000x128xf32, #tpu.memory_space<hbm>>
      tpu.wait_indirect_dma semaphore(%arg13 : memref<!tpu.dma_semaphore, #tpu.memory_space<semaphore_mem>>) src(%dma_wait3A_96 : memref<10000x128xf32, #tpu.memory_space<hbm>>) dst(%arg10 : memref<128x128xf32, #tpu.memory_space<vmem>>)
      %dma_start3A_97 = arith.constant 0 : i32
      %dma_start3A_98 = tpu.memref_slice %arg8[%add3A_63, %dma_start3A_97] : memref<40x128xi32, #tpu.memory_space<vmem>> -> memref<1x128xi32, #tpu.memory_space<vmem>>
      %dma_start3A_99 = tpu.memref_squeeze %dma_start3A_98 : memref<1x128xi32, #tpu.memory_space<vmem>> -> memref<128xi32, #tpu.memory_space<vmem>>
      %dma_start3A_100 = arith.constant 0 : i32
      %dma_start3A_101 = arith.constant 0 : i32
      %dma_start3A_102 = tpu.memref_slice %arg11[%dma_start3A_100, %dma_start3A_101] : memref<10008x128xf32, #tpu.memory_space<vmem_shared>> -> memref<10008x128xf32, #tpu.memory_space<vmem_shared>>
      tpu.enqueue_indirect_dma source(%arg10 : memref<128x128xf32, #tpu.memory_space<vmem>>) target(%dma_start3A_102 : memref<10008x128xf32, #tpu.memory_space<vmem_shared>>) offsets(%dma_start3A_99 : memref<128xi32, #tpu.memory_space<vmem>>) semaphore(%arg15 : memref<!tpu.dma_semaphore, #tpu.memory_space<semaphore_mem>>) {add = true}
    }
    %scan3A_10 = arith.constant 20 : i32
    %dma_wait3A = arith.constant 0 : i32
    %dma_wait3A_11 = arith.constant 0 : i32
    %dma_wait3A_12 = tpu.memref_slice %arg8[%dma_wait3A, %dma_wait3A_11] : memref<40x128xi32, #tpu.memory_space<vmem>> -> memref<1x128xi32, #tpu.memory_space<vmem>>
    %dma_wait3A_13 = tpu.memref_squeeze %dma_wait3A_12 : memref<1x128xi32, #tpu.memory_space<vmem>> -> memref<128xi32, #tpu.memory_space<vmem>>
    %dma_wait3A_14 = arith.constant 0 : i32
    %dma_wait3A_15 = arith.constant 0 : i32
    %dma_wait3A_16 = tpu.memref_slice %arg11[%dma_wait3A_14, %dma_wait3A_15] : memref<10008x128xf32, #tpu.memory_space<vmem_shared>> -> memref<10008x128xf32, #tpu.memory_space<vmem_shared>>
    tpu.wait_indirect_dma semaphore(%arg14 : memref<!tpu.dma_semaphore, #tpu.memory_space<semaphore_mem>>) src(%arg9 : memref<128x128xf32, #tpu.memory_space<vmem>>) dst(%dma_wait3A_16 : memref<10008x128xf32, #tpu.memory_space<vmem_shared>>)
    %dma_wait3A_17 = arith.constant 0 : i32
    %dma_wait3A_18 = arith.constant 0 : i32
    %dma_wait3A_19 = tpu.memref_slice %arg8[%dma_wait3A_17, %dma_wait3A_18] : memref<40x128xi32, #tpu.memory_space<vmem>> -> memref<1x128xi32, #tpu.memory_space<vmem>>
    %dma_wait3A_20 = tpu.memref_squeeze %dma_wait3A_19 : memref<1x128xi32, #tpu.memory_space<vmem>> -> memref<128xi32, #tpu.memory_space<vmem>>
    %dma_wait3A_21 = arith.constant 0 : i32
    %dma_wait3A_22 = arith.constant 0 : i32
    %dma_wait3A_23 = tpu.memref_slice %arg11[%dma_wait3A_21, %dma_wait3A_22] : memref<10008x128xf32, #tpu.memory_space<vmem_shared>> -> memref<10008x128xf32, #tpu.memory_space<vmem_shared>>
    tpu.wait_indirect_dma semaphore(%arg15 : memref<!tpu.dma_semaphore, #tpu.memory_space<semaphore_mem>>) src(%arg10 : memref<128x128xf32, #tpu.memory_space<vmem>>) dst(%dma_wait3A_23 : memref<10008x128xf32, #tpu.memory_space<vmem_shared>>)
    "tpu.region"() ({
      %run_scoped3A = tpu.sem_alloc : memref<!tpu.dma_semaphore, #tpu.memory_space<semaphore_mem>>
      %dma_start3A = arith.constant 40 : i32
      %dma_start3A_53 = arith.constant 0 : i32
      %dma_start3A_54 = tpu.memref_slice %arg3[%add3A, %dma_start3A, %dma_start3A_53] : memref<32x80x128xi32, #tpu.memory_space<hbm>> -> memref<1x40x128xi32, #tpu.memory_space<hbm>>
      %dma_start3A_55 = tpu.memref_squeeze %dma_start3A_54 : memref<1x40x128xi32, #tpu.memory_space<hbm>> -> memref<40x128xi32, #tpu.memory_space<hbm>>
      %dma_start3A_56 = arith.constant 40 : i32
      %dma_start3A_57 = arith.constant 0 : i32
      %dma_start3A_58 = tpu.memref_slice %arg3[%add3A, %dma_start3A_56, %dma_start3A_57] : memref<32x80x128xi32, #tpu.memory_space<hbm>> -> memref<1x40x128xi32, #tpu.memory_space<hbm>>
      %dma_start3A_59 = tpu.memref_squeeze %dma_start3A_58 : memref<1x40x128xi32, #tpu.memory_space<hbm>> -> memref<40x128xi32, #tpu.memory_space<hbm>>
      tpu.enqueue_dma source(%dma_start3A_59 : memref<40x128xi32, #tpu.memory_space<hbm>>) target(%arg7 : memref<40x128xi32, #tpu.memory_space<vmem>>) target_semaphore(%run_scoped3A : memref<!tpu.dma_semaphore, #tpu.memory_space<semaphore_mem>>)
      %dma_wait3A_60 = arith.constant 40 : i32
      %dma_wait3A_61 = arith.constant 0 : i32
      %dma_wait3A_62 = tpu.memref_slice %arg3[%add3A, %dma_wait3A_60, %dma_wait3A_61] : memref<32x80x128xi32, #tpu.memory_space<hbm>> -> memref<1x40x128xi32, #tpu.memory_space<hbm>>
      %dma_wait3A_63 = tpu.memref_squeeze %dma_wait3A_62 : memref<1x40x128xi32, #tpu.memory_space<hbm>> -> memref<40x128xi32, #tpu.memory_space<hbm>>
      %dma_wait3A_64 = arith.constant 40 : i32
      %dma_wait3A_65 = arith.constant 0 : i32
      %dma_wait3A_66 = tpu.memref_slice %arg3[%add3A, %dma_wait3A_64, %dma_wait3A_65] : memref<32x80x128xi32, #tpu.memory_space<hbm>> -> memref<1x40x128xi32, #tpu.memory_space<hbm>>
      %dma_wait3A_67 = tpu.memref_squeeze %dma_wait3A_66 : memref<1x40x128xi32, #tpu.memory_space<hbm>> -> memref<40x128xi32, #tpu.memory_space<hbm>>
      tpu.wait_dma2 semaphore(%run_scoped3A : memref<!tpu.dma_semaphore, #tpu.memory_space<semaphore_mem>>) src(%dma_wait3A_67 : memref<40x128xi32, #tpu.memory_space<hbm>>) dst(%arg7 : memref<40x128xi32, #tpu.memory_space<vmem>>)
      tpu.yield
    }) : () -> ()
    "tpu.region"() ({
      %run_scoped3A = tpu.sem_alloc : memref<!tpu.dma_semaphore, #tpu.memory_space<semaphore_mem>>
      %dma_start3A = arith.constant 40 : i32
      %dma_start3A_53 = arith.constant 0 : i32
      %dma_start3A_54 = tpu.memref_slice %arg4[%add3A, %dma_start3A, %dma_start3A_53] : memref<32x80x128xi32, #tpu.memory_space<hbm>> -> memref<1x40x128xi32, #tpu.memory_space<hbm>>
      %dma_start3A_55 = tpu.memref_squeeze %dma_start3A_54 : memref<1x40x128xi32, #tpu.memory_space<hbm>> -> memref<40x128xi32, #tpu.memory_space<hbm>>
      %dma_start3A_56 = arith.constant 40 : i32
      %dma_start3A_57 = arith.constant 0 : i32
      %dma_start3A_58 = tpu.memref_slice %arg4[%add3A, %dma_start3A_56, %dma_start3A_57] : memref<32x80x128xi32, #tpu.memory_space<hbm>> -> memref<1x40x128xi32, #tpu.memory_space<hbm>>
      %dma_start3A_59 = tpu.memref_squeeze %dma_start3A_58 : memref<1x40x128xi32, #tpu.memory_space<hbm>> -> memref<40x128xi32, #tpu.memory_space<hbm>>
      tpu.enqueue_dma source(%dma_start3A_59 : memref<40x128xi32, #tpu.memory_space<hbm>>) target(%arg8 : memref<40x128xi32, #tpu.memory_space<vmem>>) target_semaphore(%run_scoped3A : memref<!tpu.dma_semaphore, #tpu.memory_space<semaphore_mem>>)
      %dma_wait3A_60 = arith.constant 40 : i32
      %dma_wait3A_61 = arith.constant 0 : i32
      %dma_wait3A_62 = tpu.memref_slice %arg4[%add3A, %dma_wait3A_60, %dma_wait3A_61] : memref<32x80x128xi32, #tpu.memory_space<hbm>> -> memref<1x40x128xi32, #tpu.memory_space<hbm>>
      %dma_wait3A_63 = tpu.memref_squeeze %dma_wait3A_62 : memref<1x40x128xi32, #tpu.memory_space<hbm>> -> memref<40x128xi32, #tpu.memory_space<hbm>>
      %dma_wait3A_64 = arith.constant 40 : i32
      %dma_wait3A_65 = arith.constant 0 : i32
      %dma_wait3A_66 = tpu.memref_slice %arg4[%add3A, %dma_wait3A_64, %dma_wait3A_65] : memref<32x80x128xi32, #tpu.memory_space<hbm>> -> memref<1x40x128xi32, #tpu.memory_space<hbm>>
      %dma_wait3A_67 = tpu.memref_squeeze %dma_wait3A_66 : memref<1x40x128xi32, #tpu.memory_space<hbm>> -> memref<40x128xi32, #tpu.memory_space<hbm>>
      tpu.wait_dma2 semaphore(%run_scoped3A : memref<!tpu.dma_semaphore, #tpu.memory_space<semaphore_mem>>) src(%dma_wait3A_67 : memref<40x128xi32, #tpu.memory_space<hbm>>) dst(%arg8 : memref<40x128xi32, #tpu.memory_space<vmem>>)
      tpu.yield
    }) : () -> ()
    %scan3A_24 = arith.constant 0 : i32
    %scan3A_25 = arith.constant 20 : i32
    %scan3A_26 = arith.addi %scan3A_24, %scan3A_25 : i32
    %scan3A_27 = arith.constant 1 : i32
    scf.for %scan3A_53 = %scan3A_24 to %scan3A_26 step %scan3A_27  : i32 {
      %mul3A_54 = arith.constant 1 : i32
      %mul3A_55 = arith.muli %scan3A_53, %mul3A_54 : i32
      %add3A_56 = arith.constant 0 : i32
      %add3A_57 = arith.addi %add3A_56, %mul3A_55 : i32
      %mul3A_58 = arith.constant 2 : i32
      %mul3A_59 = arith.muli %mul3A_58, %add3A_57 : i32
      %mul3A_60 = arith.constant 2 : i32
      %mul3A_61 = arith.muli %mul3A_60, %add3A_57 : i32
      %add3A_62 = arith.constant 1 : i32
      %add3A_63 = arith.addi %mul3A_61, %add3A_62 : i32
      %gt3A = arith.constant 0 : i32
      %gt3A_64 = arith.cmpi sgt, %add3A_57, %gt3A : i32
      %convert_element_type3A_65 = arith.extui %gt3A_64 : i1 to i32
      %cond3A_66 = arith.constant 0 : i32
      %cond3A_67 = arith.cmpi ne, %convert_element_type3A_65, %cond3A_66 : i32
      scf.if %cond3A_67 {
        %dma_wait3A_103 = arith.constant 0 : i32
        %dma_wait3A_104 = tpu.memref_slice %arg8[%mul3A_59, %dma_wait3A_103] : memref<40x128xi32, #tpu.memory_space<vmem>> -> memref<1x128xi32, #tpu.memory_space<vmem>>
        %dma_wait3A_105 = tpu.memref_squeeze %dma_wait3A_104 : memref<1x128xi32, #tpu.memory_space<vmem>> -> memref<128xi32, #tpu.memory_space<vmem>>
        %dma_wait3A_106 = arith.constant 0 : i32
        %dma_wait3A_107 = arith.constant 0 : i32
        %dma_wait3A_108 = tpu.memref_slice %arg11[%dma_wait3A_106, %dma_wait3A_107] : memref<10008x128xf32, #tpu.memory_space<vmem_shared>> -> memref<10008x128xf32, #tpu.memory_space<vmem_shared>>
        tpu.wait_indirect_dma semaphore(%arg14 : memref<!tpu.dma_semaphore, #tpu.memory_space<semaphore_mem>>) src(%arg9 : memref<128x128xf32, #tpu.memory_space<vmem>>) dst(%dma_wait3A_108 : memref<10008x128xf32, #tpu.memory_space<vmem_shared>>)
        %dma_wait3A_109 = arith.constant 0 : i32
        %dma_wait3A_110 = tpu.memref_slice %arg8[%add3A_63, %dma_wait3A_109] : memref<40x128xi32, #tpu.memory_space<vmem>> -> memref<1x128xi32, #tpu.memory_space<vmem>>
        %dma_wait3A_111 = tpu.memref_squeeze %dma_wait3A_110 : memref<1x128xi32, #tpu.memory_space<vmem>> -> memref<128xi32, #tpu.memory_space<vmem>>
        %dma_wait3A_112 = arith.constant 0 : i32
        %dma_wait3A_113 = arith.constant 0 : i32
        %dma_wait3A_114 = tpu.memref_slice %arg11[%dma_wait3A_112, %dma_wait3A_113] : memref<10008x128xf32, #tpu.memory_space<vmem_shared>> -> memref<10008x128xf32, #tpu.memory_space<vmem_shared>>
        tpu.wait_indirect_dma semaphore(%arg15 : memref<!tpu.dma_semaphore, #tpu.memory_space<semaphore_mem>>) src(%arg10 : memref<128x128xf32, #tpu.memory_space<vmem>>) dst(%dma_wait3A_114 : memref<10008x128xf32, #tpu.memory_space<vmem_shared>>)
      } else {
      }
      %dma_start3A = arith.constant 0 : i32
      %dma_start3A_68 = tpu.memref_slice %arg7[%mul3A_59, %dma_start3A] : memref<40x128xi32, #tpu.memory_space<vmem>> -> memref<1x128xi32, #tpu.memory_space<vmem>>
      %dma_start3A_69 = tpu.memref_squeeze %dma_start3A_68 : memref<1x128xi32, #tpu.memory_space<vmem>> -> memref<128xi32, #tpu.memory_space<vmem>>
      %dma_start3A_70 = arith.constant 0 : i32
      %dma_start3A_71 = arith.constant 0 : i32
      %dma_start3A_72 = tpu.memref_slice %arg2[%dma_start3A_70, %dma_start3A_71] : memref<10000x128xf32, #tpu.memory_space<hbm>> -> memref<10000x128xf32, #tpu.memory_space<hbm>>
      tpu.enqueue_indirect_dma source(%dma_start3A_72 : memref<10000x128xf32, #tpu.memory_space<hbm>>) target(%arg9 : memref<128x128xf32, #tpu.memory_space<vmem>>) offsets(%dma_start3A_69 : memref<128xi32, #tpu.memory_space<vmem>>) semaphore(%arg12 : memref<!tpu.dma_semaphore, #tpu.memory_space<semaphore_mem>>)
      %dma_start3A_73 = arith.constant 0 : i32
      %dma_start3A_74 = tpu.memref_slice %arg7[%add3A_63, %dma_start3A_73] : memref<40x128xi32, #tpu.memory_space<vmem>> -> memref<1x128xi32, #tpu.memory_space<vmem>>
      %dma_start3A_75 = tpu.memref_squeeze %dma_start3A_74 : memref<1x128xi32, #tpu.memory_space<vmem>> -> memref<128xi32, #tpu.memory_space<vmem>>
      %dma_start3A_76 = arith.constant 0 : i32
      %dma_start3A_77 = arith.constant 0 : i32
      %dma_start3A_78 = tpu.memref_slice %arg2[%dma_start3A_76, %dma_start3A_77] : memref<10000x128xf32, #tpu.memory_space<hbm>> -> memref<10000x128xf32, #tpu.memory_space<hbm>>
      tpu.enqueue_indirect_dma source(%dma_start3A_78 : memref<10000x128xf32, #tpu.memory_space<hbm>>) target(%arg10 : memref<128x128xf32, #tpu.memory_space<vmem>>) offsets(%dma_start3A_75 : memref<128xi32, #tpu.memory_space<vmem>>) semaphore(%arg13 : memref<!tpu.dma_semaphore, #tpu.memory_space<semaphore_mem>>)
      %dma_wait3A_79 = arith.constant 0 : i32
      %dma_wait3A_80 = tpu.memref_slice %arg7[%mul3A_59, %dma_wait3A_79] : memref<40x128xi32, #tpu.memory_space<vmem>> -> memref<1x128xi32, #tpu.memory_space<vmem>>
      %dma_wait3A_81 = tpu.memref_squeeze %dma_wait3A_80 : memref<1x128xi32, #tpu.memory_space<vmem>> -> memref<128xi32, #tpu.memory_space<vmem>>
      %dma_wait3A_82 = arith.constant 0 : i32
      %dma_wait3A_83 = arith.constant 0 : i32
      %dma_wait3A_84 = tpu.memref_slice %arg2[%dma_wait3A_82, %dma_wait3A_83] : memref<10000x128xf32, #tpu.memory_space<hbm>> -> memref<10000x128xf32, #tpu.memory_space<hbm>>
      tpu.wait_indirect_dma semaphore(%arg12 : memref<!tpu.dma_semaphore, #tpu.memory_space<semaphore_mem>>) src(%dma_wait3A_84 : memref<10000x128xf32, #tpu.memory_space<hbm>>) dst(%arg9 : memref<128x128xf32, #tpu.memory_space<vmem>>)
      %dma_start3A_85 = arith.constant 0 : i32
      %dma_start3A_86 = tpu.memref_slice %arg8[%mul3A_59, %dma_start3A_85] : memref<40x128xi32, #tpu.memory_space<vmem>> -> memref<1x128xi32, #tpu.memory_space<vmem>>
      %dma_start3A_87 = tpu.memref_squeeze %dma_start3A_86 : memref<1x128xi32, #tpu.memory_space<vmem>> -> memref<128xi32, #tpu.memory_space<vmem>>
      %dma_start3A_88 = arith.constant 0 : i32
      %dma_start3A_89 = arith.constant 0 : i32
      %dma_start3A_90 = tpu.memref_slice %arg11[%dma_start3A_88, %dma_start3A_89] : memref<10008x128xf32, #tpu.memory_space<vmem_shared>> -> memref<10008x128xf32, #tpu.memory_space<vmem_shared>>
      tpu.enqueue_indirect_dma source(%arg9 : memref<128x128xf32, #tpu.memory_space<vmem>>) target(%dma_start3A_90 : memref<10008x128xf32, #tpu.memory_space<vmem_shared>>) offsets(%dma_start3A_87 : memref<128xi32, #tpu.memory_space<vmem>>) semaphore(%arg14 : memref<!tpu.dma_semaphore, #tpu.memory_space<semaphore_mem>>) {add = true}
      %dma_wait3A_91 = arith.constant 0 : i32
      %dma_wait3A_92 = tpu.memref_slice %arg7[%add3A_63, %dma_wait3A_91] : memref<40x128xi32, #tpu.memory_space<vmem>> -> memref<1x128xi32, #tpu.memory_space<vmem>>
      %dma_wait3A_93 = tpu.memref_squeeze %dma_wait3A_92 : memref<1x128xi32, #tpu.memory_space<vmem>> -> memref<128xi32, #tpu.memory_space<vmem>>
      %dma_wait3A_94 = arith.constant 0 : i32
      %dma_wait3A_95 = arith.constant 0 : i32
      %dma_wait3A_96 = tpu.memref_slice %arg2[%dma_wait3A_94, %dma_wait3A_95] : memref<10000x128xf32, #tpu.memory_space<hbm>> -> memref<10000x128xf32, #tpu.memory_space<hbm>>
      tpu.wait_indirect_dma semaphore(%arg13 : memref<!tpu.dma_semaphore, #tpu.memory_space<semaphore_mem>>) src(%dma_wait3A_96 : memref<10000x128xf32, #tpu.memory_space<hbm>>) dst(%arg10 : memref<128x128xf32, #tpu.memory_space<vmem>>)
      %dma_start3A_97 = arith.constant 0 : i32
      %dma_start3A_98 = tpu.memref_slice %arg8[%add3A_63, %dma_start3A_97] : memref<40x128xi32, #tpu.memory_space<vmem>> -> memref<1x128xi32, #tpu.memory_space<vmem>>
      %dma_start3A_99 = tpu.memref_squeeze %dma_start3A_98 : memref<1x128xi32, #tpu.memory_space<vmem>> -> memref<128xi32, #tpu.memory_space<vmem>>
      %dma_start3A_100 = arith.constant 0 : i32
      %dma_start3A_101 = arith.constant 0 : i32
      %dma_start3A_102 = tpu.memref_slice %arg11[%dma_start3A_100, %dma_start3A_101] : memref<10008x128xf32, #tpu.memory_space<vmem_shared>> -> memref<10008x128xf32, #tpu.memory_space<vmem_shared>>
      tpu.enqueue_indirect_dma source(%arg10 : memref<128x128xf32, #tpu.memory_space<vmem>>) target(%dma_start3A_102 : memref<10008x128xf32, #tpu.memory_space<vmem_shared>>) offsets(%dma_start3A_99 : memref<128xi32, #tpu.memory_space<vmem>>) semaphore(%arg15 : memref<!tpu.dma_semaphore, #tpu.memory_space<semaphore_mem>>) {add = true}
    }
    %scan3A_28 = arith.constant 20 : i32
    %dma_wait3A_29 = arith.constant 0 : i32
    %dma_wait3A_30 = arith.constant 0 : i32
    %dma_wait3A_31 = tpu.memref_slice %arg8[%dma_wait3A_29, %dma_wait3A_30] : memref<40x128xi32, #tpu.memory_space<vmem>> -> memref<1x128xi32, #tpu.memory_space<vmem>>
    %dma_wait3A_32 = tpu.memref_squeeze %dma_wait3A_31 : memref<1x128xi32, #tpu.memory_space<vmem>> -> memref<128xi32, #tpu.memory_space<vmem>>
    %dma_wait3A_33 = arith.constant 0 : i32
    %dma_wait3A_34 = arith.constant 0 : i32
    %dma_wait3A_35 = tpu.memref_slice %arg11[%dma_wait3A_33, %dma_wait3A_34] : memref<10008x128xf32, #tpu.memory_space<vmem_shared>> -> memref<10008x128xf32, #tpu.memory_space<vmem_shared>>
    tpu.wait_indirect_dma semaphore(%arg14 : memref<!tpu.dma_semaphore, #tpu.memory_space<semaphore_mem>>) src(%arg9 : memref<128x128xf32, #tpu.memory_space<vmem>>) dst(%dma_wait3A_35 : memref<10008x128xf32, #tpu.memory_space<vmem_shared>>)
    %dma_wait3A_36 = arith.constant 0 : i32
    %dma_wait3A_37 = arith.constant 0 : i32
    %dma_wait3A_38 = tpu.memref_slice %arg8[%dma_wait3A_36, %dma_wait3A_37] : memref<40x128xi32, #tpu.memory_space<vmem>> -> memref<1x128xi32, #tpu.memory_space<vmem>>
    %dma_wait3A_39 = tpu.memref_squeeze %dma_wait3A_38 : memref<1x128xi32, #tpu.memory_space<vmem>> -> memref<128xi32, #tpu.memory_space<vmem>>
    %dma_wait3A_40 = arith.constant 0 : i32
    %dma_wait3A_41 = arith.constant 0 : i32
    %dma_wait3A_42 = tpu.memref_slice %arg11[%dma_wait3A_40, %dma_wait3A_41] : memref<10008x128xf32, #tpu.memory_space<vmem_shared>> -> memref<10008x128xf32, #tpu.memory_space<vmem_shared>>
    tpu.wait_indirect_dma semaphore(%arg15 : memref<!tpu.dma_semaphore, #tpu.memory_space<semaphore_mem>>) src(%arg10 : memref<128x128xf32, #tpu.memory_space<vmem>>) dst(%dma_wait3A_42 : memref<10008x128xf32, #tpu.memory_space<vmem_shared>>)
    %barrier3A_43 = arith.constant 0 : index
    tpu.barrier barrier_id(%barrier3A_43)
    %mul3A_44 = arith.constant 624 : i32
    %mul3A_45 = arith.muli %arg1, %mul3A_44 : i32
    %mul3A_46 = arith.constant 624 : i32
    %mul3A_47 = arith.muli %arg1, %mul3A_46 : i32
    "tpu.region"() ({
      %run_scoped3A = tpu.sem_alloc : memref<!tpu.dma_semaphore, #tpu.memory_space<semaphore_mem>>
      %dma_start3A = arith.constant 0 : i32
      %dma_start3A_53 = tpu.memref_slice %arg6[%arg0, %mul3A_47, %dma_start3A] : memref<2x10000x128xf32, #tpu.memory_space<hbm>> -> memref<1x624x128xf32, #tpu.memory_space<hbm>>
      %dma_start3A_54 = tpu.memref_squeeze %dma_start3A_53 : memref<1x624x128xf32, #tpu.memory_space<hbm>> -> memref<624x128xf32, #tpu.memory_space<hbm>>
      %dma_start3A_55 = arith.constant 0 : i32
      %dma_start3A_56 = tpu.memref_slice %arg11[%mul3A_45, %dma_start3A_55] : memref<10008x128xf32, #tpu.memory_space<vmem_shared>> -> memref<624x128xf32, #tpu.memory_space<vmem_shared>>
      tpu.enqueue_dma source(%dma_start3A_56 : memref<624x128xf32, #tpu.memory_space<vmem_shared>>) target(%dma_start3A_54 : memref<624x128xf32, #tpu.memory_space<hbm>>) target_semaphore(%run_scoped3A : memref<!tpu.dma_semaphore, #tpu.memory_space<semaphore_mem>>)
      %dma_wait3A_57 = arith.constant 0 : i32
      %dma_wait3A_58 = tpu.memref_slice %arg6[%arg0, %mul3A_47, %dma_wait3A_57] : memref<2x10000x128xf32, #tpu.memory_space<hbm>> -> memref<1x624x128xf32, #tpu.memory_space<hbm>>
      %dma_wait3A_59 = tpu.memref_squeeze %dma_wait3A_58 : memref<1x624x128xf32, #tpu.memory_space<hbm>> -> memref<624x128xf32, #tpu.memory_space<hbm>>
      %dma_wait3A_60 = arith.constant 0 : i32
      %dma_wait3A_61 = tpu.memref_slice %arg11[%mul3A_45, %dma_wait3A_60] : memref<10008x128xf32, #tpu.memory_space<vmem_shared>> -> memref<624x128xf32, #tpu.memory_space<vmem_shared>>
      tpu.wait_dma2 semaphore(%run_scoped3A : memref<!tpu.dma_semaphore, #tpu.memory_space<semaphore_mem>>) src(%dma_wait3A_61 : memref<624x128xf32, #tpu.memory_space<vmem_shared>>) dst(%dma_wait3A_59 : memref<624x128xf32, #tpu.memory_space<hbm>>)
      tpu.yield
    }) : () -> ()
    %eq3A_48 = arith.constant 0 : i32
    %eq3A_49 = arith.cmpi eq, %arg1, %eq3A_48 : i32
    %convert_element_type3A_50 = arith.extui %eq3A_49 : i1 to i32
    %cond3A_51 = arith.constant 0 : i32
    %cond3A_52 = arith.cmpi ne, %convert_element_type3A_50, %cond3A_51 : i32
    scf.if %cond3A_52 {
      "tpu.region"() ({
        %run_scoped3A = tpu.sem_alloc : memref<!tpu.dma_semaphore, #tpu.memory_space<semaphore_mem>>
        %dma_start3A = arith.constant 9984 : i32
        %dma_start3A_53 = arith.constant 0 : i32
        %dma_start3A_54 = tpu.memref_slice %arg6[%arg0, %dma_start3A, %dma_start3A_53] : memref<2x10000x128xf32, #tpu.memory_space<hbm>> -> memref<1x16x128xf32, #tpu.memory_space<hbm>>
        %dma_start3A_55 = tpu.memref_squeeze %dma_start3A_54 : memref<1x16x128xf32, #tpu.memory_space<hbm>> -> memref<16x128xf32, #tpu.memory_space<hbm>>
        %dma_start3A_56 = arith.constant 9984 : i32
        %dma_start3A_57 = arith.constant 0 : i32
        %dma_start3A_58 = tpu.memref_slice %arg11[%dma_start3A_56, %dma_start3A_57] : memref<10008x128xf32, #tpu.memory_space<vmem_shared>> -> memref<16x128xf32, #tpu.memory_space<vmem_shared>>
        tpu.enqueue_dma source(%dma_start3A_58 : memref<16x128xf32, #tpu.memory_space<vmem_shared>>) target(%dma_start3A_55 : memref<16x128xf32, #tpu.memory_space<hbm>>) target_semaphore(%run_scoped3A : memref<!tpu.dma_semaphore, #tpu.memory_space<semaphore_mem>>)
        %dma_wait3A_59 = arith.constant 9984 : i32
        %dma_wait3A_60 = arith.constant 0 : i32
        %dma_wait3A_61 = tpu.memref_slice %arg6[%arg0, %dma_wait3A_59, %dma_wait3A_60] : memref<2x10000x128xf32, #tpu.memory_space<hbm>> -> memref<1x16x128xf32, #tpu.memory_space<hbm>>
        %dma_wait3A_62 = tpu.memref_squeeze %dma_wait3A_61 : memref<1x16x128xf32, #tpu.memory_space<hbm>> -> memref<16x128xf32, #tpu.memory_space<hbm>>
        %dma_wait3A_63 = arith.constant 9984 : i32
        %dma_wait3A_64 = arith.constant 0 : i32
        %dma_wait3A_65 = tpu.memref_slice %arg11[%dma_wait3A_63, %dma_wait3A_64] : memref<10008x128xf32, #tpu.memory_space<vmem_shared>> -> memref<16x128xf32, #tpu.memory_space<vmem_shared>>
        tpu.wait_dma2 semaphore(%run_scoped3A : memref<!tpu.dma_semaphore, #tpu.memory_space<semaphore_mem>>) src(%dma_wait3A_65 : memref<16x128xf32, #tpu.memory_space<vmem_shared>>) dst(%dma_wait3A_62 : memref<16x128xf32, #tpu.memory_space<hbm>>)
        tpu.yield
      }) : () -> ()
    } else {
    }
    return
  }
}

module attributes {stable_mosaic.version = 14 : i64} {
  func.func @body(%arg0: i32, %arg1: memref<1000x128xf32, #tpu.memory_space<vmem>>, %arg2: memref<128x128xf32, #tpu.memory_space<vmem>>, %arg3: memref<1000x128xf32, #tpu.memory_space<vmem>>) attributes {dimension_semantics = [#tpu.dimension_semantics<arbitrary>], iteration_bounds = array<i64: 10>, scalar_prefetch = 0 : i64, scratch_operands = 0 : i64, tpu.core_type = #tpu.core_type<tc>, window_params = [{transform_indices = @transform_0, window_bounds = array<i64: 1000, 128>}, {pipeline_mode = #tpu.pipeline_mode<synchronous>, transform_indices = @transform_1, window_bounds = array<i64: 128, 128>}, {transform_indices = @transform_2, window_bounds = array<i64: 1000, 128>}]} {
    %get3A = arith.constant 0 : index
    %get3A_0 = arith.constant 0 : index
    %get3A_1 = vector.load %arg1[%get3A, %get3A_0] : memref<1000x128xf32, #tpu.memory_space<vmem>>, vector<1000x128xf32>
    %get3A_2 = arith.constant 0 : index
    %get3A_3 = arith.constant 0 : index
    %get3A_4 = vector.load %arg2[%get3A_2, %get3A_3] : memref<128x128xf32, #tpu.memory_space<vmem>>, vector<128x128xf32>
    %dot_general3A = arith.constant dense<0.000000e+00> : vector<1000x128xf32>
    %dot_general3A_5 = tpu.matmul %get3A_1, %get3A_4, %dot_general3A {dimension_numbers = #tpu.dot_dimension_numbers<[1], [0], [0], [1], [0, 0, 1, 1], [], []>, precision = #tpu.contract_precision<fp32>, transpose_lhs_hint = false} : vector<1000x128xf32>, vector<128x128xf32>, vector<1000x128xf32> -> vector<1000x128xf32>
    %swap3A = arith.constant 0 : index
    %swap3A_6 = arith.constant 0 : index
    %swap3A_7 = vector.load %arg3[%swap3A, %swap3A_6] : memref<1000x128xf32, #tpu.memory_space<vmem>>, vector<1000x128xf32>
    tpu.vector_store %arg3[%swap3A, %swap3A_6], %dot_general3A_5 {strides = array<i32>} : memref<1000x128xf32, #tpu.memory_space<vmem>>, vector<1000x128xf32>,
    return
  }
  func.func @transform_0(%arg0: i32) -> (i32, i32) {
    %c0_i32 = arith.constant 0 : i32
    %c0_i32_0 = arith.constant 0 : i32
    return %arg0, %c0_i32 : i32, i32
  }
  func.func @transform_1(%arg0: i32) -> (i32, i32) {
    %c0_i32 = arith.constant 0 : i32
    %c0_i32_0 = arith.constant 0 : i32
    %c0_i32_1 = arith.constant 0 : i32
    return %c0_i32, %c0_i32_0 : i32, i32
  }
  func.func @transform_2(%arg0: i32) -> (i32, i32) {
    %c0_i32 = arith.constant 0 : i32
    %c0_i32_0 = arith.constant 0 : i32
    return %arg0, %c0_i32 : i32, i32
  }
}

module attributes {stable_mosaic.version = 14 : i64} {
  func.func @body(%arg0: memref<256x10000xf32, #tpu.memory_space<vmem>>, %arg1: memref<1x10000xf32, #tpu.memory_space<vmem>>) attributes {dimension_semantics = [], scalar_prefetch = 0 : i64, scratch_operands = 0 : i64, tpu.core_type = #tpu.core_type<tc>} {
    %get3A = arith.constant 0 : index
    %get3A_0 = arith.constant 0 : index
    %get3A_1 = vector.load %arg0[%get3A, %get3A_0] : memref<256x10000xf32, #tpu.memory_space<vmem>>, vector<256x10000xf32>
    %reduce_sum3A = arith.constant dense<0.000000e+00> : vector<10000xf32>
    %reduce_sum3A_2 = vector.multi_reduction <add>, %get3A_1, %reduce_sum3A [0] : vector<256x10000xf32> to vector<10000xf32>
    %broadcast_in_dim3A = vector.shape_cast %reduce_sum3A_2 : vector<10000xf32> to vector<1x10000xf32>
    %add3A = arith.constant 1.000000e+00 : f32
    %add3A_3 = vector.broadcast %add3A : f32 to vector<1x10000xf32>
    %add3A_4 = arith.addf %broadcast_in_dim3A, %add3A_3 : vector<1x10000xf32>
    %rsqrt3A = math.rsqrt %add3A_4 : vector<1x10000xf32>
    %swap3A = arith.constant 0 : index
    %swap3A_5 = arith.constant 0 : index
    %swap3A_6 = vector.load %arg1[%swap3A, %swap3A_5] : memref<1x10000xf32, #tpu.memory_space<vmem>>, vector<1x10000xf32>
    tpu.vector_store %arg1[%swap3A, %swap3A_5], %rsqrt3A {strides = array<i32>} : memref<1x10000xf32, #tpu.memory_space<vmem>>, vector<1x10000xf32>,
    return
  }
}

module attributes {stable_mosaic.version = 14 : i64} {
  func.func @body(%arg0: i32, %arg1: memref<1000x128xf32, #tpu.memory_space<vmem>>, %arg2: memref<1000x1xf32, #tpu.memory_space<vmem>>, %arg3: memref<1000x128xf32, #tpu.memory_space<vmem>>) attributes {dimension_semantics = [#tpu.dimension_semantics<arbitrary>], iteration_bounds = array<i64: 10>, scalar_prefetch = 0 : i64, scratch_operands = 0 : i64, tpu.core_type = #tpu.core_type<tc>, window_params = [{transform_indices = @transform_0, window_bounds = array<i64: 1000, 128>}, {transform_indices = @transform_1, window_bounds = array<i64: 1000, 1>}, {transform_indices = @transform_2, window_bounds = array<i64: 1000, 128>}]} {
    %get3A = arith.constant 0 : index
    %get3A_0 = arith.constant 0 : index
    %get3A_1 = vector.load %arg1[%get3A, %get3A_0] : memref<1000x128xf32, #tpu.memory_space<vmem>>, vector<1000x128xf32>
    %get3A_2 = arith.constant 0 : index
    %get3A_3 = arith.constant 0 : index
    %get3A_4 = vector.load %arg2[%get3A_2, %get3A_3] : memref<1000x1xf32, #tpu.memory_space<vmem>>, vector<1000x1xf32>
    %broadcast_in_dim3A = vector.shape_cast %get3A_4 : vector<1000x1xf32> to vector<1000x1xf32>
    %broadcast_in_dim3A_5 = vector.broadcast %broadcast_in_dim3A : vector<1000x1xf32> to vector<1000x128xf32>
    %mul3A = arith.mulf %get3A_1, %broadcast_in_dim3A_5 : vector<1000x128xf32>
    %swap3A = arith.constant 0 : index
    %swap3A_6 = arith.constant 0 : index
    %swap3A_7 = vector.load %arg3[%swap3A, %swap3A_6] : memref<1000x128xf32, #tpu.memory_space<vmem>>, vector<1000x128xf32>
    tpu.vector_store %arg3[%swap3A, %swap3A_6], %mul3A {strides = array<i32>} : memref<1000x128xf32, #tpu.memory_space<vmem>>, vector<1000x128xf32>,
    return
  }
  func.func @transform_0(%arg0: i32) -> (i32, i32) {
    %c0_i32 = arith.constant 0 : i32
    %c0_i32_0 = arith.constant 0 : i32
    return %arg0, %c0_i32 : i32, i32
  }
  func.func @transform_1(%arg0: i32) -> (i32, i32) {
    %c0_i32 = arith.constant 0 : i32
    %c0_i32_0 = arith.constant 0 : i32
    return %arg0, %c0_i32 : i32, i32
  }
  func.func @transform_2(%arg0: i32) -> (i32, i32) {
    %c0_i32 = arith.constant 0 : i32
    %c0_i32_0 = arith.constant 0 : i32
    return %arg0, %c0_i32 : i32, i32
  }
}

module attributes {stable_mosaic.version = 14 : i64} {
  func.func @body(%arg0: i32, %arg1: memref<2x1000x128xf32, #tpu.memory_space<vmem>>, %arg2: memref<1000x128xf32, #tpu.memory_space<vmem>>, %arg3: memref<1000x1xf32, #tpu.memory_space<vmem>>, %arg4: memref<1x128xf32, #tpu.memory_space<vmem>>, %arg5: memref<128x128xf32, #tpu.memory_space<vmem>>, %arg6: memref<1000x128xf32, #tpu.memory_space<vmem>>) attributes {dimension_semantics = [#tpu.dimension_semantics<arbitrary>], iteration_bounds = array<i64: 10>, scalar_prefetch = 0 : i64, scratch_operands = 0 : i64, tpu.core_type = #tpu.core_type<tc>, window_params = [{transform_indices = @transform_0, window_bounds = array<i64: 2, 1000, 128>}, {transform_indices = @transform_1, window_bounds = array<i64: 1000, 128>}, {transform_indices = @transform_2, window_bounds = array<i64: 1000, 1>}, {pipeline_mode = #tpu.pipeline_mode<synchronous>, transform_indices = @transform_3, window_bounds = array<i64: 1, 128>}, {pipeline_mode = #tpu.pipeline_mode<synchronous>, transform_indices = @transform_4, window_bounds = array<i64: 128, 128>}, {transform_indices = @transform_5, window_bounds = array<i64: 1000, 128>}]} {
    %get3A = arith.constant 0 : index
    %get3A_0 = arith.constant 0 : index
    %get3A_1 = vector.load %arg3[%get3A, %get3A_0] : memref<1000x1xf32, #tpu.memory_space<vmem>>, vector<1000x1xf32>
    %broadcast_in_dim3A = vector.shape_cast %get3A_1 : vector<1000x1xf32> to vector<1000x1xf32>
    %broadcast_in_dim3A_2 = vector.broadcast %broadcast_in_dim3A : vector<1000x1xf32> to vector<1000x128xf32>
    %get3A_3 = arith.constant 0 : index
    %get3A_4 = arith.constant 0 : index
    %get3A_5 = arith.constant 0 : index
    %get3A_6 = vector.load %arg1[%get3A_3, %get3A_4, %get3A_5] : memref<2x1000x128xf32, #tpu.memory_space<vmem>>, vector<1x1000x128xf32>
    %get3A_7 = vector.shape_cast %get3A_6 : vector<1x1000x128xf32> to vector<1000x128xf32>
    %get3A_8 = arith.constant 1 : index
    %get3A_9 = arith.constant 0 : index
    %get3A_10 = arith.constant 0 : index
    %get3A_11 = vector.load %arg1[%get3A_8, %get3A_9, %get3A_10] : memref<2x1000x128xf32, #tpu.memory_space<vmem>>, vector<1x1000x128xf32>
    %get3A_12 = vector.shape_cast %get3A_11 : vector<1x1000x128xf32> to vector<1000x128xf32>
    %add3A = arith.addf %get3A_7, %get3A_12 : vector<1000x128xf32>
    %get3A_13 = arith.constant 0 : index
    %get3A_14 = arith.constant 0 : index
    %get3A_15 = vector.load %arg2[%get3A_13, %get3A_14] : memref<1000x128xf32, #tpu.memory_space<vmem>>, vector<1000x128xf32>
    %add3A_16 = arith.addf %add3A, %get3A_15 : vector<1000x128xf32>
    %mul3A = arith.mulf %broadcast_in_dim3A_2, %add3A_16 : vector<1000x128xf32>
    %get3A_17 = arith.constant 0 : index
    %get3A_18 = arith.constant 0 : index
    %get3A_19 = vector.load %arg4[%get3A_17, %get3A_18] : memref<1x128xf32, #tpu.memory_space<vmem>>, vector<1x128xf32>
    %add3A_20 = vector.broadcast %get3A_19 : vector<1x128xf32> to vector<1000x128xf32>
    %add3A_21 = arith.addf %mul3A, %add3A_20 : vector<1000x128xf32>
    %max3A = arith.constant 0.000000e+00 : f32
    %max3A_22 = vector.broadcast %max3A : f32 to vector<1000x128xf32>
    %max3A_23 = arith.maximumf %add3A_21, %max3A_22 : vector<1000x128xf32>
    %get3A_24 = arith.constant 0 : index
    %get3A_25 = arith.constant 0 : index
    %get3A_26 = vector.load %arg5[%get3A_24, %get3A_25] : memref<128x128xf32, #tpu.memory_space<vmem>>, vector<128x128xf32>
    %dot_general3A = arith.constant dense<0.000000e+00> : vector<1000x128xf32>
    %dot_general3A_27 = tpu.matmul %max3A_23, %get3A_26, %dot_general3A {dimension_numbers = #tpu.dot_dimension_numbers<[1], [0], [0], [1], [0, 0, 1, 1], [], []>, precision = #tpu.contract_precision<fp32>, transpose_lhs_hint = false} : vector<1000x128xf32>, vector<128x128xf32>, vector<1000x128xf32> -> vector<1000x128xf32>
    %mul3A_28 = arith.mulf %broadcast_in_dim3A_2, %dot_general3A_27 : vector<1000x128xf32>
    %swap3A = arith.constant 0 : index
    %swap3A_29 = arith.constant 0 : index
    %swap3A_30 = vector.load %arg6[%swap3A, %swap3A_29] : memref<1000x128xf32, #tpu.memory_space<vmem>>, vector<1000x128xf32>
    tpu.vector_store %arg6[%swap3A, %swap3A_29], %mul3A_28 {strides = array<i32>} : memref<1000x128xf32, #tpu.memory_space<vmem>>, vector<1000x128xf32>,
    return
  }
  func.func @transform_0(%arg0: i32) -> (i32, i32, i32) {
    %c0_i32 = arith.constant 0 : i32
    %c0_i32_0 = arith.constant 0 : i32
    %c0_i32_1 = arith.constant 0 : i32
    return %c0_i32, %arg0, %c0_i32_0 : i32, i32, i32
  }
  func.func @transform_1(%arg0: i32) -> (i32, i32) {
    %c0_i32 = arith.constant 0 : i32
    %c0_i32_0 = arith.constant 0 : i32
    return %arg0, %c0_i32 : i32, i32
  }
  func.func @transform_2(%arg0: i32) -> (i32, i32) {
    %c0_i32 = arith.constant 0 : i32
    %c0_i32_0 = arith.constant 0 : i32
    return %arg0, %c0_i32 : i32, i32
  }
  func.func @transform_3(%arg0: i32) -> (i32, i32) {
    %c0_i32 = arith.constant 0 : i32
    %c0_i32_0 = arith.constant 0 : i32
    %c0_i32_1 = arith.constant 0 : i32
    return %c0_i32, %c0_i32_0 : i32, i32
  }
  func.func @transform_4(%arg0: i32) -> (i32, i32) {
    %c0_i32 = arith.constant 0 : i32
    %c0_i32_0 = arith.constant 0 : i32
    %c0_i32_1 = arith.constant 0 : i32
    return %c0_i32, %c0_i32_0 : i32, i32
  }
  func.func @transform_5(%arg0: i32) -> (i32, i32) {
    %c0_i32 = arith.constant 0 : i32
    %c0_i32_0 = arith.constant 0 : i32
    return %arg0, %c0_i32 : i32, i32
  }
}

module attributes {stable_mosaic.version = 14 : i64} {
  func.func @body(%arg0: i32, %arg1: memref<2x1000x128xf32, #tpu.memory_space<vmem>>, %arg2: memref<1000x128xf32, #tpu.memory_space<vmem>>, %arg3: memref<1000x1xf32, #tpu.memory_space<vmem>>, %arg4: memref<1x128xf32, #tpu.memory_space<vmem>>, %arg5: memref<128x128xf32, #tpu.memory_space<vmem>>, %arg6: memref<1x128xf32, #tpu.memory_space<vmem>>, %arg7: memref<1000x128xf32, #tpu.memory_space<vmem>>) attributes {dimension_semantics = [#tpu.dimension_semantics<arbitrary>], iteration_bounds = array<i64: 10>, scalar_prefetch = 0 : i64, scratch_operands = 0 : i64, tpu.core_type = #tpu.core_type<tc>, window_params = [{transform_indices = @transform_0, window_bounds = array<i64: 2, 1000, 128>}, {transform_indices = @transform_1, window_bounds = array<i64: 1000, 128>}, {transform_indices = @transform_2, window_bounds = array<i64: 1000, 1>}, {pipeline_mode = #tpu.pipeline_mode<synchronous>, transform_indices = @transform_3, window_bounds = array<i64: 1, 128>}, {pipeline_mode = #tpu.pipeline_mode<synchronous>, transform_indices = @transform_4, window_bounds = array<i64: 128, 128>}, {pipeline_mode = #tpu.pipeline_mode<synchronous>, transform_indices = @transform_5, window_bounds = array<i64: 1, 128>}, {transform_indices = @transform_6, window_bounds = array<i64: 1000, 128>}]} {
    %get3A = arith.constant 0 : index
    %get3A_0 = arith.constant 0 : index
    %get3A_1 = vector.load %arg3[%get3A, %get3A_0] : memref<1000x1xf32, #tpu.memory_space<vmem>>, vector<1000x1xf32>
    %broadcast_in_dim3A = vector.shape_cast %get3A_1 : vector<1000x1xf32> to vector<1000x1xf32>
    %broadcast_in_dim3A_2 = vector.broadcast %broadcast_in_dim3A : vector<1000x1xf32> to vector<1000x128xf32>
    %get3A_3 = arith.constant 0 : index
    %get3A_4 = arith.constant 0 : index
    %get3A_5 = arith.constant 0 : index
    %get3A_6 = vector.load %arg1[%get3A_3, %get3A_4, %get3A_5] : memref<2x1000x128xf32, #tpu.memory_space<vmem>>, vector<1x1000x128xf32>
    %get3A_7 = vector.shape_cast %get3A_6 : vector<1x1000x128xf32> to vector<1000x128xf32>
    %get3A_8 = arith.constant 1 : index
    %get3A_9 = arith.constant 0 : index
    %get3A_10 = arith.constant 0 : index
    %get3A_11 = vector.load %arg1[%get3A_8, %get3A_9, %get3A_10] : memref<2x1000x128xf32, #tpu.memory_space<vmem>>, vector<1x1000x128xf32>
    %get3A_12 = vector.shape_cast %get3A_11 : vector<1x1000x128xf32> to vector<1000x128xf32>
    %add3A = arith.addf %get3A_7, %get3A_12 : vector<1000x128xf32>
    %get3A_13 = arith.constant 0 : index
    %get3A_14 = arith.constant 0 : index
    %get3A_15 = vector.load %arg2[%get3A_13, %get3A_14] : memref<1000x128xf32, #tpu.memory_space<vmem>>, vector<1000x128xf32>
    %add3A_16 = arith.addf %add3A, %get3A_15 : vector<1000x128xf32>
    %mul3A = arith.mulf %broadcast_in_dim3A_2, %add3A_16 : vector<1000x128xf32>
    %get3A_17 = arith.constant 0 : index
    %get3A_18 = arith.constant 0 : index
    %get3A_19 = vector.load %arg4[%get3A_17, %get3A_18] : memref<1x128xf32, #tpu.memory_space<vmem>>, vector<1x128xf32>
    %add3A_20 = vector.broadcast %get3A_19 : vector<1x128xf32> to vector<1000x128xf32>
    %add3A_21 = arith.addf %mul3A, %add3A_20 : vector<1000x128xf32>
    %get3A_22 = arith.constant 0 : index
    %get3A_23 = arith.constant 0 : index
    %get3A_24 = vector.load %arg5[%get3A_22, %get3A_23] : memref<128x128xf32, #tpu.memory_space<vmem>>, vector<128x128xf32>
    %dot_general3A = arith.constant dense<0.000000e+00> : vector<1000x128xf32>
    %dot_general3A_25 = tpu.matmul %add3A_21, %get3A_24, %dot_general3A {dimension_numbers = #tpu.dot_dimension_numbers<[1], [0], [0], [1], [0, 0, 1, 1], [], []>, precision = #tpu.contract_precision<fp32>, transpose_lhs_hint = false} : vector<1000x128xf32>, vector<128x128xf32>, vector<1000x128xf32> -> vector<1000x128xf32>
    %get3A_26 = arith.constant 0 : index
    %get3A_27 = arith.constant 0 : index
    %get3A_28 = vector.load %arg6[%get3A_26, %get3A_27] : memref<1x128xf32, #tpu.memory_space<vmem>>, vector<1x128xf32>
    %add3A_29 = vector.broadcast %get3A_28 : vector<1x128xf32> to vector<1000x128xf32>
    %add3A_30 = arith.addf %dot_general3A_25, %add3A_29 : vector<1000x128xf32>
    %swap3A = arith.constant 0 : index
    %swap3A_31 = arith.constant 0 : index
    %swap3A_32 = vector.load %arg7[%swap3A, %swap3A_31] : memref<1000x128xf32, #tpu.memory_space<vmem>>, vector<1000x128xf32>
    tpu.vector_store %arg7[%swap3A, %swap3A_31], %add3A_30 {strides = array<i32>} : memref<1000x128xf32, #tpu.memory_space<vmem>>, vector<1000x128xf32>,
    return
  }
  func.func @transform_0(%arg0: i32) -> (i32, i32, i32) {
    %c0_i32 = arith.constant 0 : i32
    %c0_i32_0 = arith.constant 0 : i32
    %c0_i32_1 = arith.constant 0 : i32
    return %c0_i32, %arg0, %c0_i32_0 : i32, i32, i32
  }
  func.func @transform_1(%arg0: i32) -> (i32, i32) {
    %c0_i32 = arith.constant 0 : i32
    %c0_i32_0 = arith.constant 0 : i32
    return %arg0, %c0_i32 : i32, i32
  }
  func.func @transform_2(%arg0: i32) -> (i32, i32) {
    %c0_i32 = arith.constant 0 : i32
    %c0_i32_0 = arith.constant 0 : i32
    return %arg0, %c0_i32 : i32, i32
  }
  func.func @transform_3(%arg0: i32) -> (i32, i32) {
    %c0_i32 = arith.constant 0 : i32
    %c0_i32_0 = arith.constant 0 : i32
    %c0_i32_1 = arith.constant 0 : i32
    return %c0_i32, %c0_i32_0 : i32, i32
  }
  func.func @transform_4(%arg0: i32) -> (i32, i32) {
    %c0_i32 = arith.constant 0 : i32
    %c0_i32_0 = arith.constant 0 : i32
    %c0_i32_1 = arith.constant 0 : i32
    return %c0_i32, %c0_i32_0 : i32, i32
  }
  func.func @transform_5(%arg0: i32) -> (i32, i32) {
    %c0_i32 = arith.constant 0 : i32
    %c0_i32_0 = arith.constant 0 : i32
    %c0_i32_1 = arith.constant 0 : i32
    return %c0_i32, %c0_i32_0 : i32, i32
  }
  func.func @transform_6(%arg0: i32) -> (i32, i32) {
    %c0_i32 = arith.constant 0 : i32
    %c0_i32_0 = arith.constant 0 : i32
    return %arg0, %c0_i32 : i32, i32
  }
}

</mosaic_0001>

<sc_bundles>
// kernel: kernel.10.cloned.1.call-start
scs
__scs_entry_jumppad:
0x0: {  	(pc) =	sbr.rel $0x88, $3  }
0x1: {  	(tag) =	ssettag $0x0;
	lr =	simm.s32 $0x1  }
0x2: {  	[smem:$0x3F99] =	sst lr;
	_ =	strace $0xD0000000  }
0x3: {  	_ = 	snop  }
0x4: {  	_ = 	snop  }
0x5: {  	_ = 	snop  }
0x6: {  	_ = 	snop  }
0x7: {  	_ = 	snop  }
__scs_overlays_trampoline_lowered:
0x8: {  	[smem:$0x3FA8] =	sst s0  }
0x9: {  	[smem:$0x3FA9] =	sst s1  }
0xa: {  	[smem:$0x3FAA] =	sst s2  }
0xb: {  	[smem:$0x3FAB] =	sst s3  }
0xc: {  	[smem:$0x3FAC] =	sst s4  }
0xd: {  	[smem:$0x3FAD] =	sst s5  }
0xe: {  	[smem:$0x3FAE] =	sst s6  }
0xf: {  	[smem:$0x3FAF] =	sst s7  }
0x10: {  	[smem:$0x3FB0] =	sst s8  }
0x11: {  	[smem:$0x3FB1] =	sst s9;
	s0 =	simm.s32 @!p0 $0x0  }
0x12: {  	s1 =	sld [smem:$0x3F97];
	s0 =	simm.s32 @p0 $0x1  }
0x13: {  	[smem:$0x3FB2] =	sst s0;
	s0 =	simm.s32 @!p1 $0x0  }
0x14: {  	s2 =	sld [smem:$0x3F96];
	s0 =	simm.s32 @p1 $0x1  }
0x15: {  	[smem:$0x3FB3] =	sst s0;
	s0 =	simm.s32 @!p2 $0x0  }
0x16: {  	s3 =	sld [smem:$0x3FDB];
	s0 =	simm.s32 @p2 $0x1  }
0x17: {  	s4 =	simm.s32 $0x1BF5;
	[smem:$0x3FB5] =	sst s0  }
0x18: {  	s0 =	sld [smem:$0x3F98];
	_ =	swait.ge [sflag:s4], $0x0  }
0x19: {  	s7 =	sld [smem:$0x3F99]  }
0x1a: {  	s8 =	sadd.s32 $0xFFFFE003, lr  }
0x1b: {  	s9 =	sadd.s32 $0xFFFFFEF7, lr;
	s5 =	simm.s32 $0xFFFFFFFF;
	p2 =	slt.u32 s8, $0xFFFFF086  }
0x1c: {  	p1 =	slt.u32 s9, $0xF7A;
	s5 =	simm.s32 @!p2 $0x0  }
0x1d: {  	s5 =	simm.s32 @p1 $0x1;
	p0 =	seq.s32 s7, s2  }
0x1e: {  	s7 =	smul.u32 @!p0 $0xF7A, s2;
	p2 =	seq.s32 @!p0 s5, $0x0  }
0x1f: {  	s9 =	smul.u32 $0xF7A, s1;
	s8 =	simm.s32 @!p0 $0x1BF5;
	p2 =	por !p2, p0  }
0x20: {  	[sflag:s8] =	ssyncset.s32 @!p0 $0xFFFFF086;
	s6 =	sadd.s32 @!p0 s3, s7;
	s7 =	simm.s32 @!p0 $0x108  }
0x21: {  	s3 =	sadd.s32 s3, s9;
	s6 =	sadd.s32 @!p0 $0x88, s6;
	s7 =	simm.s32 @p2 $0x1082  }
0x22: {  	[simem:s7], [sflag:s8] =	dma.local @!p0 [hbm:s6], $0xF7A  }
0x23: {  	s9 =	sor.u32 $0xD0000000, s2;
	s6 =	simm.s32 $0x108;
	_ =	swait.ge @!p0 [sflag:s8], $0x0  }
0x24: {  	s3 =	sadd.s32 $0x88, s3;
	s6 =	simm.s32 @!p1 $0x1082;
	[sflag:s4] =	ssyncset.s32 $0xFFFFF086  }
0x25: {  	[simem:s6], [sflag:s4] =	dma.local [hbm:s3], $0xF7A  }
0x26: {  	[smem:$0x3F99] =	sst s1;
	(tag) =	ssettag s2;
	_ =	strace s9  }
0x27: {  	s1 =	sld [smem:$0x3FA9]  }
0x28: {  	s2 =	sld [smem:$0x3FAA]  }
0x29: {  	s4 =	sld [smem:$0x3FAC]  }
0x2a: {  	p0 =	seq.s32 s5, $0x0;
	s5 =	sld [smem:$0x3FAD]  }
0x2b: {  	s6 =	sld [smem:$0x3FAE]  }
0x2c: {  	s7 =	sld [smem:$0x3FAF]  }
0x2d: {  	s3 =	simm.s32 $0x108;
	s8 =	sld [smem:$0x3FB0]  }
0x2e: {  	s3 =	simm.s32 @!p0 $0x1082;
	s9 =	sld [smem:$0x3FB1]  }
0x2f: {  	lr =	sadd.s32 s0, s3;
	s0 =	sld [smem:$0x3FA8]  }
0x30: {  	s3 =	sld [smem:$0x3FAB]  }
0x31: {  	[smem:$0x3FB4] =	sst s10  }
0x32: {  	s10 =	sld [smem:$0x3FB2];
	_ =	sdelay $0x3  }
0x33: {  	p0 =	seq.s32 s10, $0x1;
	s10 =	sld [smem:$0x3FB4];
	_ =	sdelay $0x3  }
0x34: {  	[smem:$0x3FB4] =	sst s10  }
0x35: {  	s10 =	sld [smem:$0x3FB3];
	_ =	sdelay $0x3  }
0x36: {  	p1 =	seq.s32 s10, $0x1;
	s10 =	sld [smem:$0x3FB4];
	_ =	sdelay $0x3  }
0x37: {  	[smem:$0x3FB4] =	sst s10  }
0x38: {  	s10 =	sld [smem:$0x3FB5]  }
0x39: {  	_ = 	snop;
	(pc) =	sbr.ind lr, $3  }
0x3a: {  	_ = 	snop  }
0x3b: {  	_ = 	snop  }
0x3c: {  	p2 =	seq.s32 s10, $0x1;
	s10 =	sld [smem:$0x3FB4]  }
0x3d: {  	_ =	shalt  }
0x3e: {  	_ =	shalt  }
0x3f: {  	_ =	shalt  }
0x40: {  	_ =	shalt  }
0x41: {  	_ =	shalt  }
0x42: {  	_ =	shalt  }
0x43: {  	_ =	shalt  }
0x44: {  	_ =	shalt  }
0x45: {  	_ =	shalt  }
0x46: {  	_ =	shalt  }
0x47: {  	_ =	shalt  }
0x48: {  	_ =	shalt  }
0x49: {  	_ =	shalt  }
0x4a: {  	_ =	shalt  }
0x4b: {  	_ =	shalt  }
0x4c: {  	_ =	shalt  }
0x4d: {  	_ =	shalt  }
0x4e: {  	_ =	shalt  }
0x4f: {  	_ =	shalt  }
0x50: {  	_ =	shalt  }
0x51: {  	_ =	shalt  }
0x52: {  	_ =	shalt  }
0x53: {  	_ =	shalt  }
0x54: {  	_ =	shalt  }
0x55: {  	_ =	shalt  }
0x56: {  	_ =	shalt  }
0x57: {  	_ =	shalt  }
0x58: {  	_ =	shalt  }
0x59: {  	_ =	shalt  }
0x5a: {  	_ =	shalt  }
0x5b: {  	_ =	shalt  }
0x5c: {  	_ =	shalt  }
0x5d: {  	_ =	shalt  }
0x5e: {  	_ =	shalt  }
0x5f: {  	_ =	shalt  }
0x60: {  	_ =	shalt  }
0x61: {  	_ =	shalt  }
0x62: {  	_ =	shalt  }
0x63: {  	_ =	shalt  }
0x64: {  	_ =	shalt  }
0x65: {  	_ =	shalt  }
0x66: {  	_ =	shalt  }
0x67: {  	_ =	shalt  }
0x68: {  	_ =	shalt  }
0x69: {  	_ =	shalt  }
0x6a: {  	_ =	shalt  }
0x6b: {  	_ =	shalt  }
0x6c: {  	_ =	shalt  }
0x6d: {  	_ =	shalt  }
0x6e: {  	_ =	shalt  }
0x6f: {  	_ =	shalt  }
0x70: {  	_ =	shalt  }
0x71: {  	_ =	shalt  }
0x72: {  	_ =	shalt  }
0x73: {  	_ =	shalt  }
0x74: {  	_ =	shalt  }
0x75: {  	_ =	shalt  }
0x76: {  	_ =	shalt  }
0x77: {  	_ =	shalt  }
0x78: {  	_ =	shalt  }
0x79: {  	_ =	shalt  }
0x7a: {  	_ =	shalt  }
0x7b: {  	_ =	shalt  }
0x7c: {  	_ =	shalt  }
0x7d: {  	_ =	shalt  }
0x7e: {  	_ =	shalt  }
0x7f: {  	_ =	shalt  }
0x80: {  	_ =	shalt  }
0x81: {  	_ =	shalt  }
0x82: {  	_ =	shalt  }
0x83: {  	_ =	shalt  }
0x84: {  	_ =	shalt  }
0x85: {  	_ =	shalt  }
0x86: {  	_ =	shalt  }
0x87: {  	_ =	shalt  }
.Lfunc_end0:
.L_simem_size_0:
called_computation_lowered:
.L_overlay_start_0:
0x88: {  	s2 =	sld [smem:$0x3FD9]  }
0x89: {  	s3 =	sld [smem:$0x3FFE];
	_ =	sdelay $0x1  }
0x8a: {  	s1 =	srdreg.scid  }
0x8b: {  	s0 =	sand.u32 $0x1, s1  }
0x8c: {  	s17 =	sshll.u32 s0, $0xA;
	s2 =	sadd.s32 s3, s2  }
0x8d: {  	s2 =	sadd.s32 s2, s17  }
0x8e: {  	[smem:$0x3FC0] =	sst s2  }
0x8f: {  	_ = 	snop  }
0x90: {  	s2 =	sld [smem:$0x3FD0];
	(tm) =	ssettm $0x1  }
0x91: {  	s18 =	sld [smem:$0x3FFB];
	_ =	sdelay $0x3  }
0x92: {  	_ =	strace s18  }
0x93: {  	s3 =	sld [smem:$0x3FFC];
	_ =	sdelay $0x3  }
0x94: {  	_ =	strace s3  }
0x95: {  	s3 =	sld [smem:$0x3FFD];
	_ =	sdelay $0x3  }
0x96: {  	_ =	strace s3  }
0x97: {  	_ =	strace $0x8FFFFFFF  }
0x98: {  	s19 =	sld [smem:$0x3FDB];
	_ =	sdelay $0x1  }
0x99: {  	s4 =	simm.s32 $_scs_section_size  }
0x9a: {  	s5 =	simm.s32 $_size__tile_overlayer_lowered;
	s6 =	simm.s32 $_tile_overlayer_lowered  }
0x9b: {  	s22 =	simm.s32 $0x1BFF;
	s21 =	sshll.u32 s6, $0x1;
	s3 =	sadd.s32 s4, s19  }
0x9c: {  	s7 =	simm.s32 $0x0;
	s20 =	sshll.u32 s5, $0x1;
	s5 =	sadd.s32 s21, s3  }
0x9d: {  	[timem:s7], [sflag:s22] =	dma.local [hbm:s5], s20  }
0x9e: {  	_ =	swait.ge [sflag:s22], s20  }
0x9f: {  	s4 =	ssub.s32 $0x0, s20;
	[sflag:s22] =	ssyncset.done $0x0  }
0xa0: {  	[sflag:s22] =	ssyncadd.s32 s4;
	_ =	sdelay $0x1  }
0xa1: {  	s23 =	simm.s32 $0x1B8B  }
0xa2: {  	_ =	swait.ge [sflag:s23], $0x1  }
0xa3: {  	[sflag:s23] =	ssyncset.done $0x0  }
0xa4: {  	s25 =	simm.s32 $0x1B8E;
	s24 =	sld [smem:$0x3FFE];
	[sflag:s23] =	ssyncadd.s32 $0xFFFFFFFF  }
0xa5: {  	s26 =	simm.s32 $execute0_lowered;
	[smem:$0x3FD2] =	sst s25  }
0xa6: {  	s5 =	sshll.u32 s26, $0x1;
	_ =	strace $0x80000046;
	[dreg:$0x1] =	wrdreg $0xFFFFFFFF  }
0xa7: {  	s28 =	simm.s32 $_size_execute0_lowered;
	s3 =	sadd.s32 s3, s5;
	[dreg:$0x0] =	wrdreg $0x0  }
0xa8: {  	s5 =	sshll.u32 s28, $0x1;
	[dreg:$0x2] =	wrdreg s3  }
0xa9: {  	[dreg:$0x3] =	wrdreg s5  }
0xaa: {  	[dreg:$0x4] =	wrdreg $0xC0  }
0xab: {  	_ =	task [dreg:s7], $0x5FFFF  }
0xac: {  	[dreg:$0x1] =	wrdreg $0xFFFFFFFF  }
0xad: {  	[dreg:$0x0] =	wrdreg $0x60  }
0xae: {  	[dreg:$0x2] =	wrdreg s2  }
0xaf: {  	[dreg:$0x3] =	wrdreg s24  }
0xb0: {  	[dreg:$0x4] =	wrdreg $0x9  }
0xb1: {  	_ =	task.clear_ibuf [dreg:s7], $0x5FFFF;
	_ =	strace $0x90000046  }
0xb2: {  	s29 =	simm.s32 $0x9;
	_ =	strace $0x80000048  }
0xb3: {  	_ =	swait.ge [sflag:s29], $0x1  }
0xb4: {  	[sflag:s29] =	ssyncadd.s32 $0xFFFFFFFF  }
0xb5: {  	_ =	strace $0x90000048  }
0xb6: {  	_ =	sfence  }
0xb7: {  	s30 =	sld [smem:$0x0];
	_ =	sdelay $0x2  }
0xb8: {  	s31 =	sshll.u32 s1, $0xD;
	s1 =	sshrl.u32 s1, $0x2  }
0xb9: {  	s3 =	sand.u32 $0x4000, s31;
	s1 =	sadd.s32 s1, s30  }
0xba: {  	s0 =	sor.u32 s3, s0;
	s1 =	sshll.u32 s1, $0x11  }
0xbb: {  	s0 =	sor.u32 s1, s0  }
0xbc: {  	s0 =	sadd.s32 $0x8F2B, s0  }
0xbd: {  	[sflag:s0] =	ssyncadd.remote.s32 $0x1  }
0xbe: {  	_ =	sfence.sel $0xFFFF  }
0xbf: {  	[dreg:$0x0] =	wrdreg $0xFFFFFFFF;
	(pc) =	sbr.abs _section_cstart, $3  }
0xc0: {  	[dreg:$0x1] =	wrdreg $0xFFFFFFFF  }
0xc1: {  	_ =	task.clear_ibuf [dreg:s7], $0x2FFFF;
	_ =	strace $0x9FFFFFFF  }
0xc2: {  	(tm) =	ssettm $0x7FFFFFFF  }
0xc3: {  	_ =	shalt  }
tec
execute0_lowered:
.L_overlay_start_1:
0x0: {  	(tag) =	ssettag $0x1  }
0x1: {  	s0 =	srdreg.scid;
	s5 =	rddreg [dreg:$0x0]  }
0x2: {  	s6 =	rddreg [dreg:$0x1];
	s4 =	sand.u32 $0x1, s0  }
0x3: {  	s2 =	simm.s32 $0x0;
	s0 =	stileid.u32;
	s1 =	sshll.u32 s4, $0x4  }
0x4: {  	s10 =	simm.s32 $0x400;
	s11 =	simm.s32 $0x0;
	s3 =	sor.u32 s0, s1  }
0x5: {  	[smem:$0x7FF] =	sst s2;
	s8 =	sshll.u32 s0, $0x7;
	s7 =	sshrl.u32 s3, $0x3  }
0x6: {  	s4 =	ssub.s32 $0x2, s4;
	s1 =	rddreg [dreg:$0x2];
	s7 =	smul.u32 $0x13C00, s7  }
0x7: {  	_ =	strace $0x80000047;
	s8 =	sand.u32 $0x380, s8;
	s9 =	smul.u32 $0x2710, s3  }
0x8: {  	s31 =	sshrl.u32 s4, $0x1;
	s3 =	sadd.s32 $0x2400, s6;
	s7 =	sor.u32 s8, s7  }
0x9: {  	v0 =	vlaneseq.u32;
	s6 =	sadd.s32 s9, s6;
	s9 =	simm.s32 $0x80;
	s7 =	sshrl.u32 s7, $0x3  }
0xa: {  	v0 =	vand.u32 $0x7, v0;
	s8 =	ssub.s32 s4, s31;
	s4 =	sadd.s32 s5, s7;
	s5 =	sadd.s32 $0x4C00, s6  }
0xb: {  	v1 =	vimm.f32 $1.000000000e+00;
	vm0 =	vcmask $0x3F20;
	v0 =	vmul.u32 $0x2710, v0;
	s6 =	smax.u32 s8, $0x1;
	s7 =	simm.s32 $0x2780;
	s8 =	simm.s32 $0x1  }
.LBB2_1:
0xc: {  	[tilespmem:s7], [sflag:$0x1] =	stream.linear.gather [hbm4b:s3+s2], $0x13880, $0x38;
	[tilespmem:$0x16000] =	vst v63  }
0xd: {  	_ =	swait.ge [sflag:s8], $0x13880  }
0xe: {  	[sflag:s8] =	ssyncset.done $0x0  }
0xf: {  	[sflag:s8] =	ssyncadd.s32 $0xFFFEC780  }
0x10: {  	[tilespmem:s2], [sflag:$0x1] =	stream.strided.gather [hbm4b:s4+s9], $0x2780, s10, s9, $0x38;
	[tilespmem:$0x16000] =	vst v63  }
0x11: {  	_ =	swait.ge [sflag:s8], $0x2780  }
0x12: {  	[sflag:s8] =	ssyncset.done $0x0  }
0x13: {  	s12 =	simm.s32 $0x0;
	[sflag:s8] =	ssyncadd.s32 $0xFFFFD880  }
0x14: {  	v2 =	vld [tilespmem:s12+$0x0];
	s12 =	simm.s32 $0x40  }
.LBB2_2:
0x15: {  	p0 =	sne.s32 s12, $0x9C00;
	_ =	sdelay $0x3  }
0x16: {  	v2 =	vadd.s32 v0, v2;
	_ =	sdelay $0x2  }
.Ltmp0:
0x17: {  	(pc) =	sbr.rel @p0 .LBB2_2-.Ltmp0, $4  }
0x18: {  	_ = 	snop  }
0x19: {  	[tilespmem:v2+s7+$0x0] =	vst.idx.add.f32.msk $0xff, v1  }
0x1a: {  	s13 =	sshra.s32 s12, $0x2;
	[tilespmem:v2+s7+$0x0] =	vst.idx.add.f32.msk vm0, v1  }
0x1b: {  	s12 =	sadd.s32 $0x40, s12;
	v2 =	vld [tilespmem:s13+$0x0]  }
0x1c: {  	_ =	sdelay $0x3  }
0x1d: {  	v2 =	vadd.s32 v0, v2;
	_ =	sdelay $0x3  }
0x1e: {  	s11 =	sadd.s32 $0x1, s11  }
0x1f: {  	p0 =	sne.s32 s11, s6;
	[tilespmem:v2+s7+$0x0] =	vst.idx.add.f32.msk $0xff, v1  }
.Ltmp1:
0x20: {  	[tilespmem:v2+s7+$0x0] =	vst.idx.add.f32.msk vm0, v1;
	(pc) =	sbr.rel @p0 .LBB2_1-.Ltmp1, $4  }
0x21: {  	[hbm4b:s5+s2] =	stream.linear.scatter [tilespmem:s7], [sflag:$0x1], $0x13880, $0x38;
	[tilespmem:$0x16000] =	vst v63  }
0x22: {  	_ =	swait.ge [sflag:s8], $0x13880  }
0x23: {  	[sflag:s8] =	ssyncset.done $0x0  }
0x24: {  	[sflag:s8] =	ssyncadd.s32 $0xFFFEC780  }
0x25: {  	_ =	sfence.sel $0x180000  }
0x26: {  	[bflag:$0x0] =	sbarrier.arrive $0xFFFF  }
0x27: {  	p0 =	sne.s32 s0, $0x0;
	_ =	strace $0x90000047  }
0x28: {  	s0 =	sadd.s32 @!p0 $0x100000, s1;
	[bflag:$0x2] =	sbarrier.arrive $0xFFFF  }
0x29: {  	[sflag:s0] =	ssyncadd.tile.s32 @!p0 $0x1;
	_ =	shalt  }
.Lfunc_end2:
_tile_overlayer_lowered:
.L_overlay_start_2:
0x2a: {  	(tag) =	ssettag $0x2  }
0x2b: {  	s0 =	rddreg [dreg:$0x0];
	s2 =	stileid.u32  }
0x2c: {  	s1 =	rddreg [dreg:$0x1];
	p0 =	sne.s32 s2, $0x0  }
0x2d: {  	s3 =	rddreg [dreg:$0x2];
	[bflag:$0x3] =	sbarrier.arrive $0xFFFF;
	s2 =	simm.s32 @!p0 $0x1C01  }
0x2e: {  	[timem:s3], [sflag:s2] =	dma.local @!p0 [hbm:s0], s1  }
0x2f: {  	s0 =	simm.s32 @!p0 $0x1  }
0x30: {  	_ =	swait.ge @!p0 [sflag:s0], s1  }
0x31: {  	s1 =	ssub.s32 @!p0 $0x0, s1;
	[sflag:s0] =	ssyncset.done @!p0 $0x0  }
0x32: {  	[sflag:s0] =	ssyncadd.s32 @!p0 s1  }
0x33: {  	[bflag:$0x3] =	sbarrier.arrive $0xFFFF  }
0x34: {  	_ =	shalt  }

// kernel: kernel.13.cloned.1.call-start
scs
__scs_entry_jumppad:
0x0: {  	(pc) =	sbr.rel $0x88, $3  }
0x1: {  	(tag) =	ssettag $0x0;
	lr =	simm.s32 $0x1  }
0x2: {  	[smem:$0x3F99] =	sst lr;
	_ =	strace $0xD0000000  }
0x3: {  	_ = 	snop  }
0x4: {  	_ = 	snop  }
0x5: {  	_ = 	snop  }
0x6: {  	_ = 	snop  }
0x7: {  	_ = 	snop  }
__scs_overlays_trampoline_lowered:
0x8: {  	[smem:$0x3FA8] =	sst s0  }
0x9: {  	[smem:$0x3FA9] =	sst s1  }
0xa: {  	[smem:$0x3FAA] =	sst s2  }
0xb: {  	[smem:$0x3FAB] =	sst s3  }
0xc: {  	[smem:$0x3FAC] =	sst s4  }
0xd: {  	[smem:$0x3FAD] =	sst s5  }
0xe: {  	[smem:$0x3FAE] =	sst s6  }
0xf: {  	[smem:$0x3FAF] =	sst s7  }
0x10: {  	[smem:$0x3FB0] =	sst s8  }
0x11: {  	[smem:$0x3FB1] =	sst s9;
	s0 =	simm.s32 @!p0 $0x0  }
0x12: {  	s1 =	sld [smem:$0x3F97];
	s0 =	simm.s32 @p0 $0x1  }
0x13: {  	[smem:$0x3FB2] =	sst s0;
	s0 =	simm.s32 @!p1 $0x0  }
0x14: {  	s2 =	sld [smem:$0x3F96];
	s0 =	simm.s32 @p1 $0x1  }
0x15: {  	[smem:$0x3FB3] =	sst s0;
	s0 =	simm.s32 @!p2 $0x0  }
0x16: {  	s3 =	sld [smem:$0x3FDB];
	s0 =	simm.s32 @p2 $0x1  }
0x17: {  	s4 =	simm.s32 $0x1BF5;
	[smem:$0x3FB5] =	sst s0  }
0x18: {  	s0 =	sld [smem:$0x3F98];
	_ =	swait.ge [sflag:s4], $0x0  }
0x19: {  	s7 =	sld [smem:$0x3F99]  }
0x1a: {  	s8 =	sadd.s32 $0xFFFFE003, lr  }
0x1b: {  	s9 =	sadd.s32 $0xFFFFFEF7, lr;
	s5 =	simm.s32 $0xFFFFFFFF;
	p2 =	slt.u32 s8, $0xFFFFF086  }
0x1c: {  	p1 =	slt.u32 s9, $0xF7A;
	s5 =	simm.s32 @!p2 $0x0  }
0x1d: {  	s5 =	simm.s32 @p1 $0x1;
	p0 =	seq.s32 s7, s2  }
0x1e: {  	s7 =	smul.u32 @!p0 $0xF7A, s2;
	p2 =	seq.s32 @!p0 s5, $0x0  }
0x1f: {  	s9 =	smul.u32 $0xF7A, s1;
	s8 =	simm.s32 @!p0 $0x1BF5;
	p2 =	por !p2, p0  }
0x20: {  	[sflag:s8] =	ssyncset.s32 @!p0 $0xFFFFF086;
	s6 =	sadd.s32 @!p0 s3, s7;
	s7 =	simm.s32 @!p0 $0x108  }
0x21: {  	s3 =	sadd.s32 s3, s9;
	s6 =	sadd.s32 @!p0 $0x88, s6;
	s7 =	simm.s32 @p2 $0x1082  }
0x22: {  	[simem:s7], [sflag:s8] =	dma.local @!p0 [hbm:s6], $0xF7A  }
0x23: {  	s9 =	sor.u32 $0xD0000000, s2;
	s6 =	simm.s32 $0x108;
	_ =	swait.ge @!p0 [sflag:s8], $0x0  }
0x24: {  	s3 =	sadd.s32 $0x88, s3;
	s6 =	simm.s32 @!p1 $0x1082;
	[sflag:s4] =	ssyncset.s32 $0xFFFFF086  }
0x25: {  	[simem:s6], [sflag:s4] =	dma.local [hbm:s3], $0xF7A  }
0x26: {  	[smem:$0x3F99] =	sst s1;
	(tag) =	ssettag s2;
	_ =	strace s9  }
0x27: {  	s1 =	sld [smem:$0x3FA9]  }
0x28: {  	s2 =	sld [smem:$0x3FAA]  }
0x29: {  	s4 =	sld [smem:$0x3FAC]  }
0x2a: {  	p0 =	seq.s32 s5, $0x0;
	s5 =	sld [smem:$0x3FAD]  }
0x2b: {  	s6 =	sld [smem:$0x3FAE]  }
0x2c: {  	s7 =	sld [smem:$0x3FAF]  }
0x2d: {  	s3 =	simm.s32 $0x108;
	s8 =	sld [smem:$0x3FB0]  }
0x2e: {  	s3 =	simm.s32 @!p0 $0x1082;
	s9 =	sld [smem:$0x3FB1]  }
0x2f: {  	lr =	sadd.s32 s0, s3;
	s0 =	sld [smem:$0x3FA8]  }
0x30: {  	s3 =	sld [smem:$0x3FAB]  }
0x31: {  	[smem:$0x3FB4] =	sst s10  }
0x32: {  	s10 =	sld [smem:$0x3FB2];
	_ =	sdelay $0x3  }
0x33: {  	p0 =	seq.s32 s10, $0x1;
	s10 =	sld [smem:$0x3FB4];
	_ =	sdelay $0x3  }
0x34: {  	[smem:$0x3FB4] =	sst s10  }
0x35: {  	s10 =	sld [smem:$0x3FB3];
	_ =	sdelay $0x3  }
0x36: {  	p1 =	seq.s32 s10, $0x1;
	s10 =	sld [smem:$0x3FB4];
	_ =	sdelay $0x3  }
0x37: {  	[smem:$0x3FB4] =	sst s10  }
0x38: {  	s10 =	sld [smem:$0x3FB5]  }
0x39: {  	_ = 	snop;
	(pc) =	sbr.ind lr, $3  }
0x3a: {  	_ = 	snop  }
0x3b: {  	_ = 	snop  }
0x3c: {  	p2 =	seq.s32 s10, $0x1;
	s10 =	sld [smem:$0x3FB4]  }
0x3d: {  	_ =	shalt  }
0x3e: {  	_ =	shalt  }
0x3f: {  	_ =	shalt  }
0x40: {  	_ =	shalt  }
0x41: {  	_ =	shalt  }
0x42: {  	_ =	shalt  }
0x43: {  	_ =	shalt  }
0x44: {  	_ =	shalt  }
0x45: {  	_ =	shalt  }
0x46: {  	_ =	shalt  }
0x47: {  	_ =	shalt  }
0x48: {  	_ =	shalt  }
0x49: {  	_ =	shalt  }
0x4a: {  	_ =	shalt  }
0x4b: {  	_ =	shalt  }
0x4c: {  	_ =	shalt  }
0x4d: {  	_ =	shalt  }
0x4e: {  	_ =	shalt  }
0x4f: {  	_ =	shalt  }
0x50: {  	_ =	shalt  }
0x51: {  	_ =	shalt  }
0x52: {  	_ =	shalt  }
0x53: {  	_ =	shalt  }
0x54: {  	_ =	shalt  }
0x55: {  	_ =	shalt  }
0x56: {  	_ =	shalt  }
0x57: {  	_ =	shalt  }
0x58: {  	_ =	shalt  }
0x59: {  	_ =	shalt  }
0x5a: {  	_ =	shalt  }
0x5b: {  	_ =	shalt  }
0x5c: {  	_ =	shalt  }
0x5d: {  	_ =	shalt  }
0x5e: {  	_ =	shalt  }
0x5f: {  	_ =	shalt  }
0x60: {  	_ =	shalt  }
0x61: {  	_ =	shalt  }
0x62: {  	_ =	shalt  }
0x63: {  	_ =	shalt  }
0x64: {  	_ =	shalt  }
0x65: {  	_ =	shalt  }
0x66: {  	_ =	shalt  }
0x67: {  	_ =	shalt  }
0x68: {  	_ =	shalt  }
0x69: {  	_ =	shalt  }
0x6a: {  	_ =	shalt  }
0x6b: {  	_ =	shalt  }
0x6c: {  	_ =	shalt  }
0x6d: {  	_ =	shalt  }
0x6e: {  	_ =	shalt  }
0x6f: {  	_ =	shalt  }
0x70: {  	_ =	shalt  }
0x71: {  	_ =	shalt  }
0x72: {  	_ =	shalt  }
0x73: {  	_ =	shalt  }
0x74: {  	_ =	shalt  }
0x75: {  	_ =	shalt  }
0x76: {  	_ =	shalt  }
0x77: {  	_ =	shalt  }
0x78: {  	_ =	shalt  }
0x79: {  	_ =	shalt  }
0x7a: {  	_ =	shalt  }
0x7b: {  	_ =	shalt  }
0x7c: {  	_ =	shalt  }
0x7d: {  	_ =	shalt  }
0x7e: {  	_ =	shalt  }
0x7f: {  	_ =	shalt  }
0x80: {  	_ =	shalt  }
0x81: {  	_ =	shalt  }
0x82: {  	_ =	shalt  }
0x83: {  	_ =	shalt  }
0x84: {  	_ =	shalt  }
0x85: {  	_ =	shalt  }
0x86: {  	_ =	shalt  }
0x87: {  	_ =	shalt  }
.Lfunc_end0:
.L_simem_size_0:
called_computation.1_lowered:
.L_overlay_start_0:
0x88: {  	s2 =	sld [smem:$0x3FD9]  }
0x89: {  	s3 =	sld [smem:$0x3FFE];
	_ =	sdelay $0x1  }
0x8a: {  	s1 =	srdreg.scid  }
0x8b: {  	s0 =	sand.u32 $0x1, s1  }
0x8c: {  	s17 =	sshll.u32 s0, $0xA;
	s2 =	sadd.s32 s3, s2  }
0x8d: {  	s2 =	sadd.s32 s2, s17  }
0x8e: {  	[smem:$0x3FC0] =	sst s2  }
0x8f: {  	_ = 	snop  }
0x90: {  	s2 =	sld [smem:$0x3FD0];
	(tm) =	ssettm $0x1  }
0x91: {  	s18 =	sld [smem:$0x3FFB];
	_ =	sdelay $0x3  }
0x92: {  	_ =	strace s18  }
0x93: {  	s3 =	sld [smem:$0x3FFC];
	_ =	sdelay $0x3  }
0x94: {  	_ =	strace s3  }
0x95: {  	s3 =	sld [smem:$0x3FFD];
	_ =	sdelay $0x3  }
0x96: {  	_ =	strace s3  }
0x97: {  	_ =	strace $0x8FFFFFFF  }
0x98: {  	s19 =	sld [smem:$0x3FDB];
	_ =	sdelay $0x1  }
0x99: {  	s4 =	simm.s32 $_scs_section_size  }
0x9a: {  	s5 =	simm.s32 $_size__tile_overlayer_lowered;
	s6 =	simm.s32 $_tile_overlayer_lowered  }
0x9b: {  	s22 =	simm.s32 $0x1BFF;
	s21 =	sshll.u32 s6, $0x1;
	s3 =	sadd.s32 s4, s19  }
0x9c: {  	s7 =	simm.s32 $0x0;
	s20 =	sshll.u32 s5, $0x1;
	s5 =	sadd.s32 s21, s3  }
0x9d: {  	[timem:s7], [sflag:s22] =	dma.local [hbm:s5], s20  }
0x9e: {  	_ =	swait.ge [sflag:s22], s20  }
0x9f: {  	s4 =	ssub.s32 $0x0, s20;
	[sflag:s22] =	ssyncset.done $0x0  }
0xa0: {  	[sflag:s22] =	ssyncadd.s32 s4;
	_ =	sdelay $0x1  }
0xa1: {  	s23 =	simm.s32 $0x1B8B  }
0xa2: {  	_ =	swait.ge [sflag:s23], $0x1  }
0xa3: {  	[sflag:s23] =	ssyncset.done $0x0  }
0xa4: {  	s25 =	simm.s32 $0x1B8E;
	s24 =	sld [smem:$0x3FFE];
	[sflag:s23] =	ssyncadd.s32 $0xFFFFFFFF  }
0xa5: {  	s26 =	simm.s32 $execute0_lowered;
	[smem:$0x3FD2] =	sst s25  }
0xa6: {  	s5 =	sshll.u32 s26, $0x1;
	_ =	strace $0x80000049;
	[dreg:$0x1] =	wrdreg $0xFFFFFFFF  }
0xa7: {  	s28 =	simm.s32 $_size_execute0_lowered;
	s3 =	sadd.s32 s3, s5;
	[dreg:$0x0] =	wrdreg $0x0  }
0xa8: {  	s5 =	sshll.u32 s28, $0x1;
	[dreg:$0x2] =	wrdreg s3  }
0xa9: {  	[dreg:$0x3] =	wrdreg s5  }
0xaa: {  	[dreg:$0x4] =	wrdreg $0xC0  }
0xab: {  	_ =	task [dreg:s7], $0x5FFFF  }
0xac: {  	[dreg:$0x1] =	wrdreg $0xFFFFFFFF  }
0xad: {  	[dreg:$0x0] =	wrdreg $0x60  }
0xae: {  	[dreg:$0x2] =	wrdreg s2  }
0xaf: {  	[dreg:$0x3] =	wrdreg s24  }
0xb0: {  	[dreg:$0x4] =	wrdreg $0xA8000  }
0xb1: {  	[dreg:$0x5] =	wrdreg $0x9  }
0xb2: {  	_ =	task.clear_ibuf [dreg:s7], $0x6FFFF;
	_ =	strace $0x90000049  }
0xb3: {  	s29 =	simm.s32 $0x9;
	_ =	strace $0x8000004B  }
0xb4: {  	_ =	swait.ge [sflag:s29], $0x1  }
0xb5: {  	[sflag:s29] =	ssyncadd.s32 $0xFFFFFFFF  }
0xb6: {  	_ =	strace $0x9000004B  }
0xb7: {  	_ =	sfence  }
0xb8: {  	s30 =	sld [smem:$0x0];
	_ =	sdelay $0x2  }
0xb9: {  	s31 =	sshll.u32 s1, $0xD;
	s1 =	sshrl.u32 s1, $0x2  }
0xba: {  	s3 =	sand.u32 $0x4000, s31;
	s1 =	sadd.s32 s1, s30  }
0xbb: {  	s0 =	sor.u32 s3, s0;
	s1 =	sshll.u32 s1, $0x11  }
0xbc: {  	s0 =	sor.u32 s1, s0  }
0xbd: {  	s0 =	sadd.s32 $0x8F2B, s0  }
0xbe: {  	[sflag:s0] =	ssyncadd.remote.s32 $0x1  }
0xbf: {  	_ =	sfence.sel $0xFFFF  }
0xc0: {  	[dreg:$0x0] =	wrdreg $0xFFFFFFFF;
	(pc) =	sbr.abs _section_cstart, $3  }
0xc1: {  	[dreg:$0x1] =	wrdreg $0xFFFFFFFF  }
0xc2: {  	_ =	task.clear_ibuf [dreg:s7], $0x2FFFF;
	_ =	strace $0x9FFFFFFF  }
0xc3: {  	(tm) =	ssettm $0x7FFFFFFF  }
tec
execute0_lowered:
.L_overlay_start_1:
0x0: {  	(tag) =	ssettag $0x1  }
0x1: {  	s1 =	rddreg [dreg:$0x0]  }
0x2: {  	s6 =	rddreg [dreg:$0x1]  }
0x3: {  	s2 =	rddreg [dreg:$0x2]  }
0x4: {  	s0 =	rddreg [dreg:$0x3]  }
0x5: {  	s3 =	simm.s32 $0x0;
	s14 =	stileid.u32;
	s4 =	srdreg.scid  }
0x6: {  	s20 =	simm.s32 $0x6800;
	s21 =	simm.s32 $0x1;
	s22 =	simm.s32 $0x2  }
0x7: {  	[smem:$0x7FF] =	sst s3;
	s9 =	smul.u32 $0x13800, s14;
	s10 =	sadd.s32 $0x5CE00, s6  }
0x8: {  	s7 =	sand.u32 $0x1, s4;
	s11 =	sadd.s32 $0x52E00, s6;
	s13 =	smul.u32 $0x4E000, s14  }
0x9: {  	s15 =	sadd.s32 $0x66E00, s6;
	s28 =	sshll.u32 s14, $0x6;
	s18 =	sadd.s32 $0x138000, s2  }
0xa: {  	p0 =	sne.s32 s14, $0x0;
	_ =	strace $0x8000004A;
	s24 =	ssub.s32 $0x2, s7  }
0xb: {  	s12 =	sshll.u32 s7, $0x4;
	s31 =	smul.u32 $0x138800, s7;
	s5 =	sshrl.u32 s9, $0x3  }
0xc: {  	s8 =	sshrl.u32 s24, $0x1;
	s25 =	sor.u32 s14, s12;
	s26 =	sshrl.u32 s13, $0x2  }
0xd: {  	s23 =	sadd.s32 s5, s6;
	s16 =	ssub.s32 s24, s8;
	s29 =	smul.u32 $0x2800, s25  }
0xe: {  	s17 =	sadd.s32 s26, s2;
	s5 =	sor.u32 $0x1C05, s28;
	s6 =	sadd.s32 $0x29400, s6  }
0xf: {  	s19 =	sadd.s32 s9, s31;
	s13 =	sshrl.u32 s31, $0x3;
	s24 =	simm.s32 $0x3  }
0x10: {  	s25 =	simm.s32 $0x4;
	s26 =	simm.s32 $0x0;
	s4 =	sadd.s32 $0x2400, s23  }
0x11: {  	s19 =	sshrl.u32 s19, $0x3;
	s13 =	sadd.s32 s15, s13;
	s14 =	sshrl.u32 s17, $0x3  }
0x12: {  	s17 =	simm.s32 $0x1400;
	s23 =	simm.s32 $0x1480;
	s30 =	sshrl.u32 s29, $0x3  }
0x13: {  	s7 =	sadd.s32 s10, s30;
	s8 =	sadd.s32 s11, s30;
	s12 =	sadd.s32 $0x280, s30  }
0x14: {  	s9 =	sadd.s32 s10, s12;
	s10 =	sadd.s32 s11, s12;
	s11 =	sadd.s32 s15, s19  }
0x15: {  	s12 =	sadd.s32 $0x27000, s13;
	s13 =	smax.u32 s16, $0x1;
	s15 =	simm.s32 $0x5  }
0x16: {  	s16 =	sshrl.u32 @!p0 s18, $0x3;
	s18 =	simm.s32 $0x80;
	s19 =	simm.s32 $0x2800  }
.LBB2_1:
0x17: {  	[spmem:s14], [sflag:s5] =	dma.local [hbm:s4], $0x2700  }
0x18: {  	_ =	swait.ge [sflag:s15], $0x2700  }
0x19: {  	[sflag:s15] =	ssyncset.done $0x0  }
0x1a: {  	s28 =	simm.s32 @!p0 $0x5;
	[sflag:s15] =	ssyncadd.s32 $0xFFFFD900  }
0x1b: {  	[spmem:s16], [sflag:s5] =	dma.local @!p0 [hbm:s6], $0x180  }
0x1c: {  	_ =	swait.ge @!p0 [sflag:s28], $0x180  }
0x1d: {  	[sflag:s28] =	ssyncset.done @!p0 $0x0  }
0x1e: {  	[sflag:s28] =	ssyncadd.s32 @!p0 $0xFFFFFE80  }
0x1f: {  	[bflag:$0x0] =	sbarrier.arrive $0xFFFF  }
0x20: {  	[tilespmem:s3], [sflag:$0x5] =	stream.linear.gather [hbm4b:s7+s3], $0x1400, $0x38;
	[tilespmem:$0x1E0C0] =	vst v63  }
0x21: {  	_ =	swait.ge [sflag:s15], $0x1400  }
0x22: {  	[sflag:s15] =	ssyncset.done $0x0  }
0x23: {  	[sflag:s15] =	ssyncadd.s32 $0xFFFFEC00  }
0x24: {  	[tilespmem:s17], [sflag:$0x5] =	stream.linear.gather [hbm4b:s8+s3], $0x1400, $0x38;
	[tilespmem:$0x1E0C0] =	vst v63  }
0x25: {  	_ =	swait.ge [sflag:s15], $0x1400  }
0x26: {  	[sflag:s15] =	ssyncset.done $0x0  }
0x27: {  	[sflag:s15] =	ssyncadd.s32 $0xFFFFEC00  }
0x28: {  	[tilespmem:s19], [sflag:$0x1] =	stream.indirect.gather [hbm4b:s1+s18], $0x80, s3, s18, $0xb8;
	[tilespmem:$0x1E0C0] =	vst v63  }
0x29: {  	_ = 	snop  }
0x2a: {  	[tilespmem:s20], [sflag:$0x2] =	stream.indirect.gather [hbm4b:s1+s18], $0x80, s18, s18, $0xb8;
	[tilespmem:$0x1E0C0] =	vst v63  }
0x2b: {  	_ =	swait.ge [sflag:s21], $0x4000  }
0x2c: {  	[sflag:s21] =	ssyncset.done $0x0  }
0x2d: {  	[sflag:s21] =	ssyncadd.s32 $0xFFFFC000  }
0x2e: {  	[spmem:s2] =	stream.indirect.scatter.add.f32 [tilespmem:s19], [sflag:$0x3], $0x80, s17, s18, $0xb8;
	[tilespmem:$0x1E0C0] =	vst v63  }
0x2f: {  	_ =	swait.ge [sflag:s22], $0x4000  }
0x30: {  	[sflag:s22] =	ssyncset.done $0x0  }
0x31: {  	[sflag:s22] =	ssyncadd.s32 $0xFFFFC000  }
0x32: {  	[spmem:s2] =	stream.indirect.scatter.add.f32 [tilespmem:s20], [sflag:$0x4], $0x80, s23, s18, $0xb8;
	[tilespmem:$0x1E0C0] =	vst v63  }
0x33: {  	_ =	swait.ge [sflag:s24], $0x4000  }
0x34: {  	[sflag:s24] =	ssyncset.done $0x0  }
0x35: {  	[sflag:s24] =	ssyncadd.s32 $0xFFFFC000  }
0x36: {  	_ =	swait.ge [sflag:s25], $0x4000  }
0x37: {  	[sflag:s25] =	ssyncset.done $0x0  }
0x38: {  	s28 =	simm.s32 $0x100;
	[sflag:s25] =	ssyncadd.s32 $0xFFFFC000  }
0x39: {  	[tilespmem:s19], [sflag:$0x1] =	stream.indirect.gather [hbm4b:s1+s18], $0x80, s28, s18, $0xb8;
	[tilespmem:$0x1E0C0] =	vst v63  }
0x3a: {  	s28 =	simm.s32 $0x180  }
0x3b: {  	[tilespmem:s20], [sflag:$0x2] =	stream.indirect.gather [hbm4b:s1+s18], $0x80, s28, s18, $0xb8;
	[tilespmem:$0x1E0C0] =	vst v63  }
0x3c: {  	_ =	swait.ge [sflag:s21], $0x4000  }
0x3d: {  	[sflag:s21] =	ssyncset.done $0x0  }
0x3e: {  	s28 =	simm.s32 $0x1500;
	[sflag:s21] =	ssyncadd.s32 $0xFFFFC000  }
0x3f: {  	[spmem:s2] =	stream.indirect.scatter.add.f32 [tilespmem:s19], [sflag:$0x3], $0x80, s28, s18, $0xb8;
	[tilespmem:$0x1E0C0] =	vst v63  }
0x40: {  	_ =	swait.ge [sflag:s22], $0x4000  }
0x41: {  	[sflag:s22] =	ssyncset.done $0x0  }
0x42: {  	s29 =	simm.s32 $0x1580;
	s28 =	simm.s32 $0xFFFFB800;
	[sflag:s22] =	ssyncadd.s32 $0xFFFFC000  }
.LBB2_2:
0x43: {  	[spmem:s2] =	stream.indirect.scatter.add.f32 [tilespmem:s20], [sflag:$0x4], $0x80, s29, s18, $0xb8;
	[tilespmem:$0x1E0C0] =	vst v63  }
0x44: {  	s29 =	smov.u32 s28  }
0x45: {  	p1 =	sne.s32 s28, $0xFFFFFC00;
	s28 =	sadd.s32 $0x400, s28;
	_ =	swait.ge [sflag:s24], $0x4000  }
0x46: {  	[sflag:s24] =	ssyncset.done $0x0  }
0x47: {  	[sflag:s24] =	ssyncadd.s32 $0xFFFFC000  }
0x48: {  	_ =	swait.ge [sflag:s25], $0x4000  }
0x49: {  	s29 =	sshra.s32 s29, $0x2;
	[sflag:s25] =	ssyncset.done $0x0  }
0x4a: {  	s30 =	sadd.s32 $0x1400, s29;
	[sflag:s25] =	ssyncadd.s32 $0xFFFFC000  }
0x4b: {  	[tilespmem:s19], [sflag:$0x1] =	stream.indirect.gather [hbm4b:s1+s18], $0x80, s30, s18, $0xb8;
	[tilespmem:$0x1E0C0] =	vst v63  }
0x4c: {  	s30 =	sadd.s32 $0x1480, s29  }
0x4d: {  	[tilespmem:s20], [sflag:$0x2] =	stream.indirect.gather [hbm4b:s1+s18], $0x80, s30, s18, $0xb8;
	[tilespmem:$0x1E0C0] =	vst v63  }
0x4e: {  	_ =	swait.ge [sflag:s21], $0x4000  }
0x4f: {  	[sflag:s21] =	ssyncset.done $0x0  }
.Ltmp0:
0x50: {  	s30 =	sadd.s32 $0x2800, s29;
	[sflag:s21] =	ssyncadd.s32 $0xFFFFC000;
	(pc) =	sbr.rel @p1 .LBB2_2-.Ltmp0, $4  }
0x51: {  	[spmem:s2] =	stream.indirect.scatter.add.f32 [tilespmem:s19], [sflag:$0x3], $0x80, s30, s18, $0xb8;
	[tilespmem:$0x1E0C0] =	vst v63  }
0x52: {  	_ =	swait.ge [sflag:s22], $0x4000  }
0x53: {  	[sflag:s22] =	ssyncset.done $0x0  }
0x54: {  	s29 =	sadd.s32 $0x2880, s29;
	[sflag:s22] =	ssyncadd.s32 $0xFFFFC000  }
0x55: {  	[spmem:s2] =	stream.indirect.scatter.add.f32 [tilespmem:s20], [sflag:$0x4], $0x80, s29, s18, $0xb8;
	[tilespmem:$0x1E0C0] =	vst v63  }
0x56: {  	_ =	swait.ge [sflag:s24], $0x4000  }
0x57: {  	[sflag:s24] =	ssyncset.done $0x0  }
0x58: {  	[sflag:s24] =	ssyncadd.s32 $0xFFFFC000  }
0x59: {  	_ =	swait.ge [sflag:s25], $0x4000  }
0x5a: {  	[sflag:s25] =	ssyncset.done $0x0  }
0x5b: {  	[sflag:s25] =	ssyncadd.s32 $0xFFFFC000  }
0x5c: {  	[tilespmem:s3], [sflag:$0x5] =	stream.linear.gather [hbm4b:s9+s3], $0x1400, $0x38;
	[tilespmem:$0x1E0C0] =	vst v63  }
0x5d: {  	_ =	swait.ge [sflag:s15], $0x1400  }
0x5e: {  	[sflag:s15] =	ssyncset.done $0x0  }
0x5f: {  	[sflag:s15] =	ssyncadd.s32 $0xFFFFEC00  }
0x60: {  	[tilespmem:s17], [sflag:$0x5] =	stream.linear.gather [hbm4b:s10+s3], $0x1400, $0x38;
	[tilespmem:$0x1E0C0] =	vst v63  }
0x61: {  	_ =	swait.ge [sflag:s15], $0x1400  }
0x62: {  	[sflag:s15] =	ssyncset.done $0x0  }
0x63: {  	[sflag:s15] =	ssyncadd.s32 $0xFFFFEC00  }
0x64: {  	[tilespmem:s19], [sflag:$0x1] =	stream.indirect.gather [hbm4b:s1+s18], $0x80, s3, s18, $0xb8;
	[tilespmem:$0x1E0C0] =	vst v63  }
0x65: {  	_ = 	snop  }
0x66: {  	[tilespmem:s20], [sflag:$0x2] =	stream.indirect.gather [hbm4b:s1+s18], $0x80, s18, s18, $0xb8;
	[tilespmem:$0x1E0C0] =	vst v63  }
0x67: {  	_ =	swait.ge [sflag:s21], $0x4000  }
0x68: {  	[sflag:s21] =	ssyncset.done $0x0  }
0x69: {  	[sflag:s21] =	ssyncadd.s32 $0xFFFFC000  }
0x6a: {  	[spmem:s2] =	stream.indirect.scatter.add.f32 [tilespmem:s19], [sflag:$0x3], $0x80, s17, s18, $0xb8;
	[tilespmem:$0x1E0C0] =	vst v63  }
0x6b: {  	_ =	swait.ge [sflag:s22], $0x4000  }
0x6c: {  	[sflag:s22] =	ssyncset.done $0x0  }
0x6d: {  	[sflag:s22] =	ssyncadd.s32 $0xFFFFC000  }
0x6e: {  	[spmem:s2] =	stream.indirect.scatter.add.f32 [tilespmem:s20], [sflag:$0x4], $0x80, s23, s18, $0xb8;
	[tilespmem:$0x1E0C0] =	vst v63  }
0x6f: {  	_ =	swait.ge [sflag:s24], $0x4000  }
0x70: {  	[sflag:s24] =	ssyncset.done $0x0  }
0x71: {  	[sflag:s24] =	ssyncadd.s32 $0xFFFFC000  }
0x72: {  	_ =	swait.ge [sflag:s25], $0x4000  }
0x73: {  	[sflag:s25] =	ssyncset.done $0x0  }
0x74: {  	s28 =	simm.s32 $0x100;
	[sflag:s25] =	ssyncadd.s32 $0xFFFFC000  }
0x75: {  	[tilespmem:s19], [sflag:$0x1] =	stream.indirect.gather [hbm4b:s1+s18], $0x80, s28, s18, $0xb8;
	[tilespmem:$0x1E0C0] =	vst v63  }
0x76: {  	s28 =	simm.s32 $0x180  }
0x77: {  	[tilespmem:s20], [sflag:$0x2] =	stream.indirect.gather [hbm4b:s1+s18], $0x80, s28, s18, $0xb8;
	[tilespmem:$0x1E0C0] =	vst v63  }
0x78: {  	_ =	swait.ge [sflag:s21], $0x4000  }
0x79: {  	[sflag:s21] =	ssyncset.done $0x0  }
0x7a: {  	s28 =	simm.s32 $0x1500;
	[sflag:s21] =	ssyncadd.s32 $0xFFFFC000  }
0x7b: {  	[spmem:s2] =	stream.indirect.scatter.add.f32 [tilespmem:s19], [sflag:$0x3], $0x80, s28, s18, $0xb8;
	[tilespmem:$0x1E0C0] =	vst v63  }
0x7c: {  	_ =	swait.ge [sflag:s22], $0x4000  }
0x7d: {  	[sflag:s22] =	ssyncset.done $0x0  }
0x7e: {  	s29 =	simm.s32 $0x1580;
	s28 =	simm.s32 $0xFFFFB800;
	[sflag:s22] =	ssyncadd.s32 $0xFFFFC000  }
.LBB2_4:
0x7f: {  	[spmem:s2] =	stream.indirect.scatter.add.f32 [tilespmem:s20], [sflag:$0x4], $0x80, s29, s18, $0xb8;
	[tilespmem:$0x1E0C0] =	vst v63  }
0x80: {  	s29 =	smov.u32 s28  }
0x81: {  	p1 =	sne.s32 s28, $0xFFFFFC00;
	s28 =	sadd.s32 $0x400, s28;
	_ =	swait.ge [sflag:s24], $0x4000  }
0x82: {  	[sflag:s24] =	ssyncset.done $0x0  }
0x83: {  	[sflag:s24] =	ssyncadd.s32 $0xFFFFC000  }
0x84: {  	_ =	swait.ge [sflag:s25], $0x4000  }
0x85: {  	s29 =	sshra.s32 s29, $0x2;
	[sflag:s25] =	ssyncset.done $0x0  }
0x86: {  	s30 =	sadd.s32 $0x1400, s29;
	[sflag:s25] =	ssyncadd.s32 $0xFFFFC000  }
0x87: {  	[tilespmem:s19], [sflag:$0x1] =	stream.indirect.gather [hbm4b:s1+s18], $0x80, s30, s18, $0xb8;
	[tilespmem:$0x1E0C0] =	vst v63  }
0x88: {  	s30 =	sadd.s32 $0x1480, s29  }
0x89: {  	[tilespmem:s20], [sflag:$0x2] =	stream.indirect.gather [hbm4b:s1+s18], $0x80, s30, s18, $0xb8;
	[tilespmem:$0x1E0C0] =	vst v63  }
0x8a: {  	_ =	swait.ge [sflag:s21], $0x4000  }
0x8b: {  	[sflag:s21] =	ssyncset.done $0x0  }
.Ltmp1:
0x8c: {  	s30 =	sadd.s32 $0x2800, s29;
	[sflag:s21] =	ssyncadd.s32 $0xFFFFC000;
	(pc) =	sbr.rel @p1 .LBB2_4-.Ltmp1, $4  }
0x8d: {  	[spmem:s2] =	stream.indirect.scatter.add.f32 [tilespmem:s19], [sflag:$0x3], $0x80, s30, s18, $0xb8;
	[tilespmem:$0x1E0C0] =	vst v63  }
0x8e: {  	_ =	swait.ge [sflag:s22], $0x4000  }
0x8f: {  	[sflag:s22] =	ssyncset.done $0x0  }
0x90: {  	s29 =	sadd.s32 $0x2880, s29;
	[sflag:s22] =	ssyncadd.s32 $0xFFFFC000  }
0x91: {  	[spmem:s2] =	stream.indirect.scatter.add.f32 [tilespmem:s20], [sflag:$0x4], $0x80, s29, s18, $0xb8;
	[tilespmem:$0x1E0C0] =	vst v63  }
0x92: {  	_ =	swait.ge [sflag:s24], $0x4000  }
0x93: {  	[sflag:s24] =	ssyncset.done $0x0  }
0x94: {  	[sflag:s24] =	ssyncadd.s32 $0xFFFFC000  }
0x95: {  	_ =	swait.ge [sflag:s25], $0x4000  }
0x96: {  	[sflag:s25] =	ssyncset.done $0x0  }
0x97: {  	[sflag:s25] =	ssyncadd.s32 $0xFFFFC000  }
0x98: {  	[bflag:$0x0] =	sbarrier.arrive $0xFFFF  }
0x99: {  	[hbm:s11], [sflag:s5] =	dma.local [spmem:s14], $0x2700  }
0x9a: {  	s26 =	sadd.s32 $0x1, s26;
	_ =	swait.ge [sflag:s15], $0x2700  }
0x9b: {  	p1 =	sne.s32 s26, s13;
	[sflag:s15] =	ssyncset.done $0x0  }
.Ltmp2:
0x9c: {  	s28 =	simm.s32 @!p0 $0x5;
	[sflag:s15] =	ssyncadd.s32 $0xFFFFD900;
	(pc) =	sbr.rel @p1 .LBB2_1-.Ltmp2, $4  }
0x9d: {  	[hbm:s12], [sflag:s5] =	dma.local @!p0 [spmem:s16], $0x100  }
0x9e: {  	_ =	swait.ge @!p0 [sflag:s28], $0x100  }
0x9f: {  	[sflag:s28] =	ssyncset.done @!p0 $0x0  }
0xa0: {  	[sflag:s28] =	ssyncadd.s32 @!p0 $0xFFFFFF00  }
0xa1: {  	_ =	sfence.sel $0x180000  }
0xa2: {  	[bflag:$0x0] =	sbarrier.arrive $0xFFFF  }
0xa3: {  	_ =	strace $0x9000004A  }
0xa4: {  	s0 =	sadd.s32 @!p0 $0x100000, s0;
	[bflag:$0x2] =	sbarrier.arrive $0xFFFF  }
0xa5: {  	[sflag:s0] =	ssyncadd.tile.s32 @!p0 $0x1;
	_ =	shalt  }
.Lfunc_end2:
_tile_overlayer_lowered:
.L_overlay_start_2:
0xa6: {  	(tag) =	ssettag $0x2  }
0xa7: {  	s0 =	rddreg [dreg:$0x0];
	s2 =	stileid.u32  }
0xa8: {  	s1 =	rddreg [dreg:$0x1];
	p0 =	sne.s32 s2, $0x0  }
0xa9: {  	s3 =	rddreg [dreg:$0x2];
	[bflag:$0x3] =	sbarrier.arrive $0xFFFF;
	s2 =	simm.s32 @!p0 $0x1C05  }
0xaa: {  	[timem:s3], [sflag:s2] =	dma.local @!p0 [hbm:s0], s1  }
0xab: {  	s0 =	simm.s32 @!p0 $0x5  }
0xac: {  	_ =	swait.ge @!p0 [sflag:s0], s1  }
0xad: {  	s1 =	ssub.s32 @!p0 $0x0, s1;
	[sflag:s0] =	ssyncset.done @!p0 $0x0  }
0xae: {  	[sflag:s0] =	ssyncadd.s32 @!p0 s1  }
0xaf: {  	[bflag:$0x3] =	sbarrier.arrive $0xFFFF  }
0xb0: {  	_ =	shalt  }

// kernel: kernel.16.cloned.1.call-start
scs
__scs_entry_jumppad:
0x0: {  	(pc) =	sbr.rel $0x88, $3  }
0x1: {  	(tag) =	ssettag $0x0;
	lr =	simm.s32 $0x1  }
0x2: {  	[smem:$0x3F99] =	sst lr;
	_ =	strace $0xD0000000  }
0x3: {  	_ = 	snop  }
0x4: {  	_ = 	snop  }
0x5: {  	_ = 	snop  }
0x6: {  	_ = 	snop  }
0x7: {  	_ = 	snop  }
__scs_overlays_trampoline_lowered:
0x8: {  	[smem:$0x3FA8] =	sst s0  }
0x9: {  	[smem:$0x3FA9] =	sst s1  }
0xa: {  	[smem:$0x3FAA] =	sst s2  }
0xb: {  	[smem:$0x3FAB] =	sst s3  }
0xc: {  	[smem:$0x3FAC] =	sst s4  }
0xd: {  	[smem:$0x3FAD] =	sst s5  }
0xe: {  	[smem:$0x3FAE] =	sst s6  }
0xf: {  	[smem:$0x3FAF] =	sst s7  }
0x10: {  	[smem:$0x3FB0] =	sst s8  }
0x11: {  	[smem:$0x3FB1] =	sst s9;
	s0 =	simm.s32 @!p0 $0x0  }
0x12: {  	s1 =	sld [smem:$0x3F97];
	s0 =	simm.s32 @p0 $0x1  }
0x13: {  	[smem:$0x3FB2] =	sst s0;
	s0 =	simm.s32 @!p1 $0x0  }
0x14: {  	s2 =	sld [smem:$0x3F96];
	s0 =	simm.s32 @p1 $0x1  }
0x15: {  	[smem:$0x3FB3] =	sst s0;
	s0 =	simm.s32 @!p2 $0x0  }
0x16: {  	s3 =	sld [smem:$0x3FDB];
	s0 =	simm.s32 @p2 $0x1  }
0x17: {  	s4 =	simm.s32 $0x1BF5;
	[smem:$0x3FB5] =	sst s0  }
0x18: {  	s0 =	sld [smem:$0x3F98];
	_ =	swait.ge [sflag:s4], $0x0  }
0x19: {  	s7 =	sld [smem:$0x3F99]  }
0x1a: {  	s8 =	sadd.s32 $0xFFFFE003, lr  }
0x1b: {  	s9 =	sadd.s32 $0xFFFFFEF7, lr;
	s5 =	simm.s32 $0xFFFFFFFF;
	p2 =	slt.u32 s8, $0xFFFFF086  }
0x1c: {  	p1 =	slt.u32 s9, $0xF7A;
	s5 =	simm.s32 @!p2 $0x0  }
0x1d: {  	s5 =	simm.s32 @p1 $0x1;
	p0 =	seq.s32 s7, s2  }
0x1e: {  	s7 =	smul.u32 @!p0 $0xF7A, s2;
	p2 =	seq.s32 @!p0 s5, $0x0  }
0x1f: {  	s9 =	smul.u32 $0xF7A, s1;
	s8 =	simm.s32 @!p0 $0x1BF5;
	p2 =	por !p2, p0  }
0x20: {  	[sflag:s8] =	ssyncset.s32 @!p0 $0xFFFFF086;
	s6 =	sadd.s32 @!p0 s3, s7;
	s7 =	simm.s32 @!p0 $0x108  }
0x21: {  	s3 =	sadd.s32 s3, s9;
	s6 =	sadd.s32 @!p0 $0x88, s6;
	s7 =	simm.s32 @p2 $0x1082  }
0x22: {  	[simem:s7], [sflag:s8] =	dma.local @!p0 [hbm:s6], $0xF7A  }
0x23: {  	s9 =	sor.u32 $0xD0000000, s2;
	s6 =	simm.s32 $0x108;
	_ =	swait.ge @!p0 [sflag:s8], $0x0  }
0x24: {  	s3 =	sadd.s32 $0x88, s3;
	s6 =	simm.s32 @!p1 $0x1082;
	[sflag:s4] =	ssyncset.s32 $0xFFFFF086  }
0x25: {  	[simem:s6], [sflag:s4] =	dma.local [hbm:s3], $0xF7A  }
0x26: {  	[smem:$0x3F99] =	sst s1;
	(tag) =	ssettag s2;
	_ =	strace s9  }
0x27: {  	s1 =	sld [smem:$0x3FA9]  }
0x28: {  	s2 =	sld [smem:$0x3FAA]  }
0x29: {  	s4 =	sld [smem:$0x3FAC]  }
0x2a: {  	p0 =	seq.s32 s5, $0x0;
	s5 =	sld [smem:$0x3FAD]  }
0x2b: {  	s6 =	sld [smem:$0x3FAE]  }
0x2c: {  	s7 =	sld [smem:$0x3FAF]  }
0x2d: {  	s3 =	simm.s32 $0x108;
	s8 =	sld [smem:$0x3FB0]  }
0x2e: {  	s3 =	simm.s32 @!p0 $0x1082;
	s9 =	sld [smem:$0x3FB1]  }
0x2f: {  	lr =	sadd.s32 s0, s3;
	s0 =	sld [smem:$0x3FA8]  }
0x30: {  	s3 =	sld [smem:$0x3FAB]  }
0x31: {  	[smem:$0x3FB4] =	sst s10  }
0x32: {  	s10 =	sld [smem:$0x3FB2];
	_ =	sdelay $0x3  }
0x33: {  	p0 =	seq.s32 s10, $0x1;
	s10 =	sld [smem:$0x3FB4];
	_ =	sdelay $0x3  }
0x34: {  	[smem:$0x3FB4] =	sst s10  }
0x35: {  	s10 =	sld [smem:$0x3FB3];
	_ =	sdelay $0x3  }
0x36: {  	p1 =	seq.s32 s10, $0x1;
	s10 =	sld [smem:$0x3FB4];
	_ =	sdelay $0x3  }
0x37: {  	[smem:$0x3FB4] =	sst s10  }
0x38: {  	s10 =	sld [smem:$0x3FB5]  }
0x39: {  	_ = 	snop;
	(pc) =	sbr.ind lr, $3  }
0x3a: {  	_ = 	snop  }
0x3b: {  	_ = 	snop  }
0x3c: {  	p2 =	seq.s32 s10, $0x1;
	s10 =	sld [smem:$0x3FB4]  }
0x3d: {  	_ =	shalt  }
0x3e: {  	_ =	shalt  }
0x3f: {  	_ =	shalt  }
0x40: {  	_ =	shalt  }
0x41: {  	_ =	shalt  }
0x42: {  	_ =	shalt  }
0x43: {  	_ =	shalt  }
0x44: {  	_ =	shalt  }
0x45: {  	_ =	shalt  }
0x46: {  	_ =	shalt  }
0x47: {  	_ =	shalt  }
0x48: {  	_ =	shalt  }
0x49: {  	_ =	shalt  }
0x4a: {  	_ =	shalt  }
0x4b: {  	_ =	shalt  }
0x4c: {  	_ =	shalt  }
0x4d: {  	_ =	shalt  }
0x4e: {  	_ =	shalt  }
0x4f: {  	_ =	shalt  }
0x50: {  	_ =	shalt  }
0x51: {  	_ =	shalt  }
0x52: {  	_ =	shalt  }
0x53: {  	_ =	shalt  }
0x54: {  	_ =	shalt  }
0x55: {  	_ =	shalt  }
0x56: {  	_ =	shalt  }
0x57: {  	_ =	shalt  }
0x58: {  	_ =	shalt  }
0x59: {  	_ =	shalt  }
0x5a: {  	_ =	shalt  }
0x5b: {  	_ =	shalt  }
0x5c: {  	_ =	shalt  }
0x5d: {  	_ =	shalt  }
0x5e: {  	_ =	shalt  }
0x5f: {  	_ =	shalt  }
0x60: {  	_ =	shalt  }
0x61: {  	_ =	shalt  }
0x62: {  	_ =	shalt  }
0x63: {  	_ =	shalt  }
0x64: {  	_ =	shalt  }
0x65: {  	_ =	shalt  }
0x66: {  	_ =	shalt  }
0x67: {  	_ =	shalt  }
0x68: {  	_ =	shalt  }
0x69: {  	_ =	shalt  }
0x6a: {  	_ =	shalt  }
0x6b: {  	_ =	shalt  }
0x6c: {  	_ =	shalt  }
0x6d: {  	_ =	shalt  }
0x6e: {  	_ =	shalt  }
0x6f: {  	_ =	shalt  }
0x70: {  	_ =	shalt  }
0x71: {  	_ =	shalt  }
0x72: {  	_ =	shalt  }
0x73: {  	_ =	shalt  }
0x74: {  	_ =	shalt  }
0x75: {  	_ =	shalt  }
0x76: {  	_ =	shalt  }
0x77: {  	_ =	shalt  }
0x78: {  	_ =	shalt  }
0x79: {  	_ =	shalt  }
0x7a: {  	_ =	shalt  }
0x7b: {  	_ =	shalt  }
0x7c: {  	_ =	shalt  }
0x7d: {  	_ =	shalt  }
0x7e: {  	_ =	shalt  }
0x7f: {  	_ =	shalt  }
0x80: {  	_ =	shalt  }
0x81: {  	_ =	shalt  }
0x82: {  	_ =	shalt  }
0x83: {  	_ =	shalt  }
0x84: {  	_ =	shalt  }
0x85: {  	_ =	shalt  }
0x86: {  	_ =	shalt  }
0x87: {  	_ =	shalt  }
.Lfunc_end0:
.L_simem_size_0:
called_computation.2_lowered:
.L_overlay_start_0:
0x88: {  	s2 =	sld [smem:$0x3FD9]  }
0x89: {  	s3 =	sld [smem:$0x3FFE];
	_ =	sdelay $0x1  }
0x8a: {  	s1 =	srdreg.scid  }
0x8b: {  	s0 =	sand.u32 $0x1, s1  }
0x8c: {  	s17 =	sshll.u32 s0, $0xA;
	s2 =	sadd.s32 s3, s2  }
0x8d: {  	s2 =	sadd.s32 s2, s17  }
0x8e: {  	[smem:$0x3FC0] =	sst s2  }
0x8f: {  	_ = 	snop  }
0x90: {  	s2 =	sld [smem:$0x3FD0];
	(tm) =	ssettm $0x1  }
0x91: {  	s18 =	sld [smem:$0x3FFB];
	_ =	sdelay $0x3  }
0x92: {  	_ =	strace s18  }
0x93: {  	s3 =	sld [smem:$0x3FFC];
	_ =	sdelay $0x3  }
0x94: {  	_ =	strace s3  }
0x95: {  	s3 =	sld [smem:$0x3FFD];
	_ =	sdelay $0x3  }
0x96: {  	_ =	strace s3  }
0x97: {  	_ =	strace $0x8FFFFFFF  }
0x98: {  	s19 =	sld [smem:$0x3FDB];
	_ =	sdelay $0x1  }
0x99: {  	s4 =	simm.s32 $_scs_section_size  }
0x9a: {  	s5 =	simm.s32 $_size__tile_overlayer_lowered;
	s6 =	simm.s32 $_tile_overlayer_lowered  }
0x9b: {  	s22 =	simm.s32 $0x1BFF;
	s21 =	sshll.u32 s6, $0x1;
	s3 =	sadd.s32 s4, s19  }
0x9c: {  	s7 =	simm.s32 $0x0;
	s20 =	sshll.u32 s5, $0x1;
	s5 =	sadd.s32 s21, s3  }
0x9d: {  	[timem:s7], [sflag:s22] =	dma.local [hbm:s5], s20  }
0x9e: {  	_ =	swait.ge [sflag:s22], s20  }
0x9f: {  	s4 =	ssub.s32 $0x0, s20;
	[sflag:s22] =	ssyncset.done $0x0  }
0xa0: {  	[sflag:s22] =	ssyncadd.s32 s4;
	_ =	sdelay $0x1  }
0xa1: {  	s23 =	simm.s32 $0x1B8B  }
0xa2: {  	_ =	swait.ge [sflag:s23], $0x1  }
0xa3: {  	[sflag:s23] =	ssyncset.done $0x0  }
0xa4: {  	s25 =	simm.s32 $0x1B8E;
	s24 =	sld [smem:$0x3FFE];
	[sflag:s23] =	ssyncadd.s32 $0xFFFFFFFF  }
0xa5: {  	s26 =	simm.s32 $execute0_lowered;
	[smem:$0x3FD2] =	sst s25  }
0xa6: {  	s5 =	sshll.u32 s26, $0x1;
	_ =	strace $0x8000004C;
	[dreg:$0x1] =	wrdreg $0xFFFFFFFF  }
0xa7: {  	s28 =	simm.s32 $_size_execute0_lowered;
	s3 =	sadd.s32 s3, s5;
	[dreg:$0x0] =	wrdreg $0x0  }
0xa8: {  	s5 =	sshll.u32 s28, $0x1;
	[dreg:$0x2] =	wrdreg s3  }
0xa9: {  	[dreg:$0x3] =	wrdreg s5  }
0xaa: {  	[dreg:$0x4] =	wrdreg $0xC0  }
0xab: {  	_ =	task [dreg:s7], $0x5FFFF  }
0xac: {  	[dreg:$0x1] =	wrdreg $0xFFFFFFFF  }
0xad: {  	[dreg:$0x0] =	wrdreg $0x60  }
0xae: {  	[dreg:$0x2] =	wrdreg s2  }
0xaf: {  	[dreg:$0x3] =	wrdreg s24  }
0xb0: {  	[dreg:$0x4] =	wrdreg $0xA8000  }
0xb1: {  	[dreg:$0x5] =	wrdreg $0x9  }
0xb2: {  	_ =	task.clear_ibuf [dreg:s7], $0x6FFFF;
	_ =	strace $0x9000004C  }
0xb3: {  	s29 =	simm.s32 $0x9;
	_ =	strace $0x8000004E  }
0xb4: {  	_ =	swait.ge [sflag:s29], $0x1  }
0xb5: {  	[sflag:s29] =	ssyncadd.s32 $0xFFFFFFFF  }
0xb6: {  	_ =	strace $0x9000004E  }
0xb7: {  	_ =	sfence  }
0xb8: {  	s30 =	sld [smem:$0x0];
	_ =	sdelay $0x2  }
0xb9: {  	s31 =	sshll.u32 s1, $0xD;
	s1 =	sshrl.u32 s1, $0x2  }
0xba: {  	s3 =	sand.u32 $0x4000, s31;
	s1 =	sadd.s32 s1, s30  }
0xbb: {  	s0 =	sor.u32 s3, s0;
	s1 =	sshll.u32 s1, $0x11  }
0xbc: {  	s0 =	sor.u32 s1, s0  }
0xbd: {  	s0 =	sadd.s32 $0x8F2B, s0  }
0xbe: {  	[sflag:s0] =	ssyncadd.remote.s32 $0x1  }
0xbf: {  	_ =	sfence.sel $0xFFFF  }
0xc0: {  	[dreg:$0x0] =	wrdreg $0xFFFFFFFF;
	(pc) =	sbr.abs _section_cstart, $3  }
0xc1: {  	[dreg:$0x1] =	wrdreg $0xFFFFFFFF  }
0xc2: {  	_ =	task.clear_ibuf [dreg:s7], $0x2FFFF;
	_ =	strace $0x9FFFFFFF  }
0xc3: {  	(tm) =	ssettm $0x7FFFFFFF  }
tec
execute0_lowered:
.L_overlay_start_1:
0x0: {  	(tag) =	ssettag $0x1  }
0x1: {  	s1 =	rddreg [dreg:$0x0]  }
0x2: {  	s6 =	rddreg [dreg:$0x1]  }
0x3: {  	s2 =	rddreg [dreg:$0x2]  }
0x4: {  	s0 =	rddreg [dreg:$0x3]  }
0x5: {  	s3 =	simm.s32 $0x0;
	s14 =	stileid.u32;
	s4 =	srdreg.scid  }
0x6: {  	s20 =	simm.s32 $0x6800;
	s21 =	simm.s32 $0x1;
	s22 =	simm.s32 $0x2  }
0x7: {  	[smem:$0x7FF] =	sst s3;
	s9 =	smul.u32 $0x13800, s14;
	s10 =	sadd.s32 $0x5CE00, s6  }
0x8: {  	s7 =	sand.u32 $0x1, s4;
	s11 =	sadd.s32 $0x52E00, s6;
	s13 =	smul.u32 $0x4E000, s14  }
0x9: {  	s15 =	sadd.s32 $0x66E00, s6;
	s28 =	sshll.u32 s14, $0x6;
	s18 =	sadd.s32 $0x138000, s2  }
0xa: {  	p0 =	sne.s32 s14, $0x0;
	_ =	strace $0x8000004D;
	s24 =	ssub.s32 $0x2, s7  }
0xb: {  	s12 =	sshll.u32 s7, $0x4;
	s31 =	smul.u32 $0x138800, s7;
	s5 =	sshrl.u32 s9, $0x3  }
0xc: {  	s8 =	sshrl.u32 s24, $0x1;
	s25 =	sor.u32 s14, s12;
	s26 =	sshrl.u32 s13, $0x2  }
0xd: {  	s23 =	sadd.s32 s5, s6;
	s16 =	ssub.s32 s24, s8;
	s29 =	smul.u32 $0x2800, s25  }
0xe: {  	s17 =	sadd.s32 s26, s2;
	s5 =	sor.u32 $0x1C05, s28;
	s6 =	sadd.s32 $0x29400, s6  }
0xf: {  	s19 =	sadd.s32 s9, s31;
	s13 =	sshrl.u32 s31, $0x3;
	s24 =	simm.s32 $0x3  }
0x10: {  	s25 =	simm.s32 $0x4;
	s26 =	simm.s32 $0x0;
	s4 =	sadd.s32 $0x2400, s23  }
0x11: {  	s19 =	sshrl.u32 s19, $0x3;
	s13 =	sadd.s32 s15, s13;
	s14 =	sshrl.u32 s17, $0x3  }
0x12: {  	s17 =	simm.s32 $0x1400;
	s23 =	simm.s32 $0x1480;
	s30 =	sshrl.u32 s29, $0x3  }
0x13: {  	s7 =	sadd.s32 s10, s30;
	s8 =	sadd.s32 s11, s30;
	s12 =	sadd.s32 $0x280, s30  }
0x14: {  	s9 =	sadd.s32 s10, s12;
	s10 =	sadd.s32 s11, s12;
	s11 =	sadd.s32 s15, s19  }
0x15: {  	s12 =	sadd.s32 $0x27000, s13;
	s13 =	smax.u32 s16, $0x1;
	s15 =	simm.s32 $0x5  }
0x16: {  	s16 =	sshrl.u32 @!p0 s18, $0x3;
	s18 =	simm.s32 $0x80;
	s19 =	simm.s32 $0x2800  }
.LBB2_1:
0x17: {  	[spmem:s14], [sflag:s5] =	dma.local [hbm:s4], $0x2700  }
0x18: {  	_ =	swait.ge [sflag:s15], $0x2700  }
0x19: {  	[sflag:s15] =	ssyncset.done $0x0  }
0x1a: {  	s28 =	simm.s32 @!p0 $0x5;
	[sflag:s15] =	ssyncadd.s32 $0xFFFFD900  }
0x1b: {  	[spmem:s16], [sflag:s5] =	dma.local @!p0 [hbm:s6], $0x180  }
0x1c: {  	_ =	swait.ge @!p0 [sflag:s28], $0x180  }
0x1d: {  	[sflag:s28] =	ssyncset.done @!p0 $0x0  }
0x1e: {  	[sflag:s28] =	ssyncadd.s32 @!p0 $0xFFFFFE80  }
0x1f: {  	[bflag:$0x0] =	sbarrier.arrive $0xFFFF  }
0x20: {  	[tilespmem:s3], [sflag:$0x5] =	stream.linear.gather [hbm4b:s7+s3], $0x1400, $0x38;
	[tilespmem:$0x1E0C0] =	vst v63  }
0x21: {  	_ =	swait.ge [sflag:s15], $0x1400  }
0x22: {  	[sflag:s15] =	ssyncset.done $0x0  }
0x23: {  	[sflag:s15] =	ssyncadd.s32 $0xFFFFEC00  }
0x24: {  	[tilespmem:s17], [sflag:$0x5] =	stream.linear.gather [hbm4b:s8+s3], $0x1400, $0x38;
	[tilespmem:$0x1E0C0] =	vst v63  }
0x25: {  	_ =	swait.ge [sflag:s15], $0x1400  }
0x26: {  	[sflag:s15] =	ssyncset.done $0x0  }
0x27: {  	[sflag:s15] =	ssyncadd.s32 $0xFFFFEC00  }
0x28: {  	[tilespmem:s19], [sflag:$0x1] =	stream.indirect.gather [hbm4b:s1+s18], $0x80, s3, s18, $0xb8;
	[tilespmem:$0x1E0C0] =	vst v63  }
0x29: {  	_ = 	snop  }
0x2a: {  	[tilespmem:s20], [sflag:$0x2] =	stream.indirect.gather [hbm4b:s1+s18], $0x80, s18, s18, $0xb8;
	[tilespmem:$0x1E0C0] =	vst v63  }
0x2b: {  	_ =	swait.ge [sflag:s21], $0x4000  }
0x2c: {  	[sflag:s21] =	ssyncset.done $0x0  }
0x2d: {  	[sflag:s21] =	ssyncadd.s32 $0xFFFFC000  }
0x2e: {  	[spmem:s2] =	stream.indirect.scatter.add.f32 [tilespmem:s19], [sflag:$0x3], $0x80, s17, s18, $0xb8;
	[tilespmem:$0x1E0C0] =	vst v63  }
0x2f: {  	_ =	swait.ge [sflag:s22], $0x4000  }
0x30: {  	[sflag:s22] =	ssyncset.done $0x0  }
0x31: {  	[sflag:s22] =	ssyncadd.s32 $0xFFFFC000  }
0x32: {  	[spmem:s2] =	stream.indirect.scatter.add.f32 [tilespmem:s20], [sflag:$0x4], $0x80, s23, s18, $0xb8;
	[tilespmem:$0x1E0C0] =	vst v63  }
0x33: {  	_ =	swait.ge [sflag:s24], $0x4000  }
0x34: {  	[sflag:s24] =	ssyncset.done $0x0  }
0x35: {  	[sflag:s24] =	ssyncadd.s32 $0xFFFFC000  }
0x36: {  	_ =	swait.ge [sflag:s25], $0x4000  }
0x37: {  	[sflag:s25] =	ssyncset.done $0x0  }
0x38: {  	s28 =	simm.s32 $0x100;
	[sflag:s25] =	ssyncadd.s32 $0xFFFFC000  }
0x39: {  	[tilespmem:s19], [sflag:$0x1] =	stream.indirect.gather [hbm4b:s1+s18], $0x80, s28, s18, $0xb8;
	[tilespmem:$0x1E0C0] =	vst v63  }
0x3a: {  	s28 =	simm.s32 $0x180  }
0x3b: {  	[tilespmem:s20], [sflag:$0x2] =	stream.indirect.gather [hbm4b:s1+s18], $0x80, s28, s18, $0xb8;
	[tilespmem:$0x1E0C0] =	vst v63  }
0x3c: {  	_ =	swait.ge [sflag:s21], $0x4000  }
0x3d: {  	[sflag:s21] =	ssyncset.done $0x0  }
0x3e: {  	s28 =	simm.s32 $0x1500;
	[sflag:s21] =	ssyncadd.s32 $0xFFFFC000  }
0x3f: {  	[spmem:s2] =	stream.indirect.scatter.add.f32 [tilespmem:s19], [sflag:$0x3], $0x80, s28, s18, $0xb8;
	[tilespmem:$0x1E0C0] =	vst v63  }
0x40: {  	_ =	swait.ge [sflag:s22], $0x4000  }
0x41: {  	[sflag:s22] =	ssyncset.done $0x0  }
0x42: {  	s29 =	simm.s32 $0x1580;
	s28 =	simm.s32 $0xFFFFB800;
	[sflag:s22] =	ssyncadd.s32 $0xFFFFC000  }
.LBB2_2:
0x43: {  	[spmem:s2] =	stream.indirect.scatter.add.f32 [tilespmem:s20], [sflag:$0x4], $0x80, s29, s18, $0xb8;
	[tilespmem:$0x1E0C0] =	vst v63  }
0x44: {  	s29 =	smov.u32 s28  }
0x45: {  	p1 =	sne.s32 s28, $0xFFFFFC00;
	s28 =	sadd.s32 $0x400, s28;
	_ =	swait.ge [sflag:s24], $0x4000  }
0x46: {  	[sflag:s24] =	ssyncset.done $0x0  }
0x47: {  	[sflag:s24] =	ssyncadd.s32 $0xFFFFC000  }
0x48: {  	_ =	swait.ge [sflag:s25], $0x4000  }
0x49: {  	s29 =	sshra.s32 s29, $0x2;
	[sflag:s25] =	ssyncset.done $0x0  }
0x4a: {  	s30 =	sadd.s32 $0x1400, s29;
	[sflag:s25] =	ssyncadd.s32 $0xFFFFC000  }
0x4b: {  	[tilespmem:s19], [sflag:$0x1] =	stream.indirect.gather [hbm4b:s1+s18], $0x80, s30, s18, $0xb8;
	[tilespmem:$0x1E0C0] =	vst v63  }
0x4c: {  	s30 =	sadd.s32 $0x1480, s29  }
0x4d: {  	[tilespmem:s20], [sflag:$0x2] =	stream.indirect.gather [hbm4b:s1+s18], $0x80, s30, s18, $0xb8;
	[tilespmem:$0x1E0C0] =	vst v63  }
0x4e: {  	_ =	swait.ge [sflag:s21], $0x4000  }
0x4f: {  	[sflag:s21] =	ssyncset.done $0x0  }
.Ltmp0:
0x50: {  	s30 =	sadd.s32 $0x2800, s29;
	[sflag:s21] =	ssyncadd.s32 $0xFFFFC000;
	(pc) =	sbr.rel @p1 .LBB2_2-.Ltmp0, $4  }
0x51: {  	[spmem:s2] =	stream.indirect.scatter.add.f32 [tilespmem:s19], [sflag:$0x3], $0x80, s30, s18, $0xb8;
	[tilespmem:$0x1E0C0] =	vst v63  }
0x52: {  	_ =	swait.ge [sflag:s22], $0x4000  }
0x53: {  	[sflag:s22] =	ssyncset.done $0x0  }
0x54: {  	s29 =	sadd.s32 $0x2880, s29;
	[sflag:s22] =	ssyncadd.s32 $0xFFFFC000  }
0x55: {  	[spmem:s2] =	stream.indirect.scatter.add.f32 [tilespmem:s20], [sflag:$0x4], $0x80, s29, s18, $0xb8;
	[tilespmem:$0x1E0C0] =	vst v63  }
0x56: {  	_ =	swait.ge [sflag:s24], $0x4000  }
0x57: {  	[sflag:s24] =	ssyncset.done $0x0  }
0x58: {  	[sflag:s24] =	ssyncadd.s32 $0xFFFFC000  }
0x59: {  	_ =	swait.ge [sflag:s25], $0x4000  }
0x5a: {  	[sflag:s25] =	ssyncset.done $0x0  }
0x5b: {  	[sflag:s25] =	ssyncadd.s32 $0xFFFFC000  }
0x5c: {  	[tilespmem:s3], [sflag:$0x5] =	stream.linear.gather [hbm4b:s9+s3], $0x1400, $0x38;
	[tilespmem:$0x1E0C0] =	vst v63  }
0x5d: {  	_ =	swait.ge [sflag:s15], $0x1400  }
0x5e: {  	[sflag:s15] =	ssyncset.done $0x0  }
0x5f: {  	[sflag:s15] =	ssyncadd.s32 $0xFFFFEC00  }
0x60: {  	[tilespmem:s17], [sflag:$0x5] =	stream.linear.gather [hbm4b:s10+s3], $0x1400, $0x38;
	[tilespmem:$0x1E0C0] =	vst v63  }
0x61: {  	_ =	swait.ge [sflag:s15], $0x1400  }
0x62: {  	[sflag:s15] =	ssyncset.done $0x0  }
0x63: {  	[sflag:s15] =	ssyncadd.s32 $0xFFFFEC00  }
0x64: {  	[tilespmem:s19], [sflag:$0x1] =	stream.indirect.gather [hbm4b:s1+s18], $0x80, s3, s18, $0xb8;
	[tilespmem:$0x1E0C0] =	vst v63  }
0x65: {  	_ = 	snop  }
0x66: {  	[tilespmem:s20], [sflag:$0x2] =	stream.indirect.gather [hbm4b:s1+s18], $0x80, s18, s18, $0xb8;
	[tilespmem:$0x1E0C0] =	vst v63  }
0x67: {  	_ =	swait.ge [sflag:s21], $0x4000  }
0x68: {  	[sflag:s21] =	ssyncset.done $0x0  }
0x69: {  	[sflag:s21] =	ssyncadd.s32 $0xFFFFC000  }
0x6a: {  	[spmem:s2] =	stream.indirect.scatter.add.f32 [tilespmem:s19], [sflag:$0x3], $0x80, s17, s18, $0xb8;
	[tilespmem:$0x1E0C0] =	vst v63  }
0x6b: {  	_ =	swait.ge [sflag:s22], $0x4000  }
0x6c: {  	[sflag:s22] =	ssyncset.done $0x0  }
0x6d: {  	[sflag:s22] =	ssyncadd.s32 $0xFFFFC000  }
0x6e: {  	[spmem:s2] =	stream.indirect.scatter.add.f32 [tilespmem:s20], [sflag:$0x4], $0x80, s23, s18, $0xb8;
	[tilespmem:$0x1E0C0] =	vst v63  }
0x6f: {  	_ =	swait.ge [sflag:s24], $0x4000  }
0x70: {  	[sflag:s24] =	ssyncset.done $0x0  }
0x71: {  	[sflag:s24] =	ssyncadd.s32 $0xFFFFC000  }
0x72: {  	_ =	swait.ge [sflag:s25], $0x4000  }
0x73: {  	[sflag:s25] =	ssyncset.done $0x0  }
0x74: {  	s28 =	simm.s32 $0x100;
	[sflag:s25] =	ssyncadd.s32 $0xFFFFC000  }
0x75: {  	[tilespmem:s19], [sflag:$0x1] =	stream.indirect.gather [hbm4b:s1+s18], $0x80, s28, s18, $0xb8;
	[tilespmem:$0x1E0C0] =	vst v63  }
0x76: {  	s28 =	simm.s32 $0x180  }
0x77: {  	[tilespmem:s20], [sflag:$0x2] =	stream.indirect.gather [hbm4b:s1+s18], $0x80, s28, s18, $0xb8;
	[tilespmem:$0x1E0C0] =	vst v63  }
0x78: {  	_ =	swait.ge [sflag:s21], $0x4000  }
0x79: {  	[sflag:s21] =	ssyncset.done $0x0  }
0x7a: {  	s28 =	simm.s32 $0x1500;
	[sflag:s21] =	ssyncadd.s32 $0xFFFFC000  }
0x7b: {  	[spmem:s2] =	stream.indirect.scatter.add.f32 [tilespmem:s19], [sflag:$0x3], $0x80, s28, s18, $0xb8;
	[tilespmem:$0x1E0C0] =	vst v63  }
0x7c: {  	_ =	swait.ge [sflag:s22], $0x4000  }
0x7d: {  	[sflag:s22] =	ssyncset.done $0x0  }
0x7e: {  	s29 =	simm.s32 $0x1580;
	s28 =	simm.s32 $0xFFFFB800;
	[sflag:s22] =	ssyncadd.s32 $0xFFFFC000  }
.LBB2_4:
0x7f: {  	[spmem:s2] =	stream.indirect.scatter.add.f32 [tilespmem:s20], [sflag:$0x4], $0x80, s29, s18, $0xb8;
	[tilespmem:$0x1E0C0] =	vst v63  }
0x80: {  	s29 =	smov.u32 s28  }
0x81: {  	p1 =	sne.s32 s28, $0xFFFFFC00;
	s28 =	sadd.s32 $0x400, s28;
	_ =	swait.ge [sflag:s24], $0x4000  }
0x82: {  	[sflag:s24] =	ssyncset.done $0x0  }
0x83: {  	[sflag:s24] =	ssyncadd.s32 $0xFFFFC000  }
0x84: {  	_ =	swait.ge [sflag:s25], $0x4000  }
0x85: {  	s29 =	sshra.s32 s29, $0x2;
	[sflag:s25] =	ssyncset.done $0x0  }
0x86: {  	s30 =	sadd.s32 $0x1400, s29;
	[sflag:s25] =	ssyncadd.s32 $0xFFFFC000  }
0x87: {  	[tilespmem:s19], [sflag:$0x1] =	stream.indirect.gather [hbm4b:s1+s18], $0x80, s30, s18, $0xb8;
	[tilespmem:$0x1E0C0] =	vst v63  }
0x88: {  	s30 =	sadd.s32 $0x1480, s29  }
0x89: {  	[tilespmem:s20], [sflag:$0x2] =	stream.indirect.gather [hbm4b:s1+s18], $0x80, s30, s18, $0xb8;
	[tilespmem:$0x1E0C0] =	vst v63  }
0x8a: {  	_ =	swait.ge [sflag:s21], $0x4000  }
0x8b: {  	[sflag:s21] =	ssyncset.done $0x0  }
.Ltmp1:
0x8c: {  	s30 =	sadd.s32 $0x2800, s29;
	[sflag:s21] =	ssyncadd.s32 $0xFFFFC000;
	(pc) =	sbr.rel @p1 .LBB2_4-.Ltmp1, $4  }
0x8d: {  	[spmem:s2] =	stream.indirect.scatter.add.f32 [tilespmem:s19], [sflag:$0x3], $0x80, s30, s18, $0xb8;
	[tilespmem:$0x1E0C0] =	vst v63  }
0x8e: {  	_ =	swait.ge [sflag:s22], $0x4000  }
0x8f: {  	[sflag:s22] =	ssyncset.done $0x0  }
0x90: {  	s29 =	sadd.s32 $0x2880, s29;
	[sflag:s22] =	ssyncadd.s32 $0xFFFFC000  }
0x91: {  	[spmem:s2] =	stream.indirect.scatter.add.f32 [tilespmem:s20], [sflag:$0x4], $0x80, s29, s18, $0xb8;
	[tilespmem:$0x1E0C0] =	vst v63  }
0x92: {  	_ =	swait.ge [sflag:s24], $0x4000  }
0x93: {  	[sflag:s24] =	ssyncset.done $0x0  }
0x94: {  	[sflag:s24] =	ssyncadd.s32 $0xFFFFC000  }
0x95: {  	_ =	swait.ge [sflag:s25], $0x4000  }
0x96: {  	[sflag:s25] =	ssyncset.done $0x0  }
0x97: {  	[sflag:s25] =	ssyncadd.s32 $0xFFFFC000  }
0x98: {  	[bflag:$0x0] =	sbarrier.arrive $0xFFFF  }
0x99: {  	[hbm:s11], [sflag:s5] =	dma.local [spmem:s14], $0x2700  }
0x9a: {  	s26 =	sadd.s32 $0x1, s26;
	_ =	swait.ge [sflag:s15], $0x2700  }
0x9b: {  	p1 =	sne.s32 s26, s13;
	[sflag:s15] =	ssyncset.done $0x0  }
.Ltmp2:
0x9c: {  	s28 =	simm.s32 @!p0 $0x5;
	[sflag:s15] =	ssyncadd.s32 $0xFFFFD900;
	(pc) =	sbr.rel @p1 .LBB2_1-.Ltmp2, $4  }
0x9d: {  	[hbm:s12], [sflag:s5] =	dma.local @!p0 [spmem:s16], $0x100  }
0x9e: {  	_ =	swait.ge @!p0 [sflag:s28], $0x100  }
0x9f: {  	[sflag:s28] =	ssyncset.done @!p0 $0x0  }
0xa0: {  	[sflag:s28] =	ssyncadd.s32 @!p0 $0xFFFFFF00  }
0xa1: {  	_ =	sfence.sel $0x180000  }
0xa2: {  	[bflag:$0x0] =	sbarrier.arrive $0xFFFF  }
0xa3: {  	_ =	strace $0x9000004D  }
0xa4: {  	s0 =	sadd.s32 @!p0 $0x100000, s0;
	[bflag:$0x2] =	sbarrier.arrive $0xFFFF  }
0xa5: {  	[sflag:s0] =	ssyncadd.tile.s32 @!p0 $0x1;
	_ =	shalt  }
.Lfunc_end2:
_tile_overlayer_lowered:
.L_overlay_start_2:
0xa6: {  	(tag) =	ssettag $0x2  }
0xa7: {  	s0 =	rddreg [dreg:$0x0];
	s2 =	stileid.u32  }
0xa8: {  	s1 =	rddreg [dreg:$0x1];
	p0 =	sne.s32 s2, $0x0  }
0xa9: {  	s3 =	rddreg [dreg:$0x2];
	[bflag:$0x3] =	sbarrier.arrive $0xFFFF;
	s2 =	simm.s32 @!p0 $0x1C05  }
0xaa: {  	[timem:s3], [sflag:s2] =	dma.local @!p0 [hbm:s0], s1  }
0xab: {  	s0 =	simm.s32 @!p0 $0x5  }
0xac: {  	_ =	swait.ge @!p0 [sflag:s0], s1  }
0xad: {  	s1 =	ssub.s32 @!p0 $0x0, s1;
	[sflag:s0] =	ssyncset.done @!p0 $0x0  }
0xae: {  	[sflag:s0] =	ssyncadd.s32 @!p0 s1  }
0xaf: {  	[bflag:$0x3] =	sbarrier.arrive $0xFFFF  }
0xb0: {  	_ =	shalt  }

</sc_bundles>
